<compile_context>
chip_gen: v7x
topology: tpu7x:2x2x1
jax: 0.10.2.dev20260603
libtpu: 0.0.44.dev20260713+nightly
codegen_flags: <defaults>
</compile_context>

<pallas_src>
import functools

import jax
import jax.numpy as jnp
from jax import lax
from jax.experimental import pallas as pl
from jax.experimental.pallas import tpu as pltpu
from jax.experimental.pallas import tpu_sc as plsc

VOCAB = 250002
B = 64
L = 512
D = 1024
NTILES = 32
VT = 1954
VPAD = VT * 128
PHYS = (B // 8) * VT * 1024
TILE_SPAN = PHYS // NTILES
ZCH = TILE_SPAN // 32


def _row_pass(ha, hb, wa, wb, bias, idr, vals_ref, gidx_ref, rr, t):
    tw = (jnp.sum(ha * wa, axis=1, keepdims=True)
          + jnp.sum(hb * wb, axis=1, keepdims=True) + bias)
    idc = jnp.swapaxes(idr, 0, 1)
    eq = idc == idr
    cand = jnp.where(eq, tw, -jnp.inf)
    segmax = jnp.max(cand, axis=0, keepdims=True)
    v = jnp.where(idr < 4, 0.0, segmax)
    r = 4 * t + rr
    off = (((r // 8) * VT + (idr >> 7)) * 1024
           + (r % 8) * 128 + (idr & 127))
    half = rr % 2
    vals_ref[rr // 2, 4 * half:4 * half + 4, :] = v.reshape(4, 128)
    gidx_ref[rr // 2, 4 * half:4 * half + 4, :] = off.reshape(4, 128)


def _tc_body(ha_ref, hb_ref, w_ref, b_ref,
             idr0_ref, idr1_ref, idr2_ref, idr3_ref,
             vals_ref, gidx_ref):
    t = pl.program_id(0)
    wa = w_ref[:, :D // 2]
    wb = w_ref[:, D // 2:]
    bias = b_ref[0, 0]
    idrs = (idr0_ref, idr1_ref, idr2_ref, idr3_ref)
    for rr in range(4):
        _row_pass(ha_ref[rr], hb_ref[rr], wa, wb, bias,
                  idrs[rr][0], vals_ref, gidx_ref, rr, t)


def _tc_weights(hidden_states, W, b2, ids_row):
    row_spec = [pl.BlockSpec((1, 1, L), (lambda rr: (lambda t: (4 * t + rr, 0, 0)))(i))
                for i in range(4)]
    return pl.pallas_call(
        _tc_body,
        grid=(B // 4,),
        in_specs=[
            pl.BlockSpec((4, L, D // 2), lambda t: (t, 0, 0)),
            pl.BlockSpec((4, L, D // 2), lambda t: (t, 0, 1)),
            pl.BlockSpec((1, D), lambda t: (0, 0)),
            pl.BlockSpec((1, 1), lambda t: (0, 0)),
            *row_spec,
        ],
        out_specs=[
            pl.BlockSpec((2, 8, 128), lambda t: (t, 0, 0)),
            pl.BlockSpec((2, 8, 128), lambda t: (t, 0, 0)),
        ],
        out_shape=[
            jax.ShapeDtypeStruct((NTILES, 8, 128), jnp.float32),
            jax.ShapeDtypeStruct((NTILES, 8, 128), jnp.int32),
        ],
        compiler_params=pltpu.CompilerParams(
            dimension_semantics=("arbitrary",)),
    )(hidden_states, hidden_states, W, b2,
      ids_row, ids_row, ids_row, ids_row)


def _sc_scatter_body(gidx_hbm, vals_hbm, zsrc_hbm, out_hbm,
                     idx_v, val_v, zbuf, sem_in, sem_z, sem_sc):
    c = lax.axis_index("c")
    s = lax.axis_index("s")
    wid = c * 16 + s
    cp_z = pltpu.async_copy(zsrc_hbm, zbuf, sem_z)
    cp_i = pltpu.async_copy(gidx_hbm.at[wid], idx_v, sem_in)
    cp_v = pltpu.async_copy(vals_hbm.at[wid], val_v, sem_in)

    base = wid * TILE_SPAN

    cp_z.wait()
    zws = []
    for k in range(32):
        off = pl.multiple_of(base + k * ZCH, 8)
        zws.append(pltpu.async_copy(
            zbuf, out_hbm.at[pl.ds(off, ZCH)], sem_z))
    for cp in zws:
        cp.wait()
    plsc.subcore_barrier()

    cp_i.wait()
    cp_v.wait()
    scs = []
    for j in range(8):
        scs.append(pltpu.async_copy(
            val_v.at[j], out_hbm.at[idx_v.at[j]], sem_sc))
    for cp in scs:
        cp.wait()


def _sc_scatter(gidx3, vals3, zsrc):
    mesh = plsc.VectorSubcoreMesh(core_axis_name="c", subcore_axis_name="s")
    fn = functools.partial(
        pl.kernel,
        out_type=jax.ShapeDtypeStruct((PHYS,), jnp.float32),
        mesh=mesh,
        scratch_types=[
            pltpu.VMEM((8, 128), jnp.int32),
            pltpu.VMEM((8, 128), jnp.float32),
            pltpu.VMEM((ZCH,), jnp.float32),
            pltpu.SemaphoreType.DMA,
            pltpu.SemaphoreType.DMA,
            pltpu.SemaphoreType.DMA,
        ],
    )(_sc_scatter_body)
    return fn(gidx3, vals3, zsrc)


def kernel(hidden_states, W, b, input_ids):
    b2 = b.reshape(1, 1)
    ids_row = input_ids[:, None, :]
    vals3, gidx3 = _tc_weights(hidden_states, W, b2, ids_row)
    zsrc = jnp.zeros((ZCH,), jnp.float32)
    flat = _sc_scatter(gidx3, vals3, zsrc)
    out = (flat.reshape(B // 8, VT, 8, 128)
           .transpose(0, 2, 1, 3)
           .reshape(B, VPAD)[:, :VOCAB])
    return out

# --- scband reference (transcript-rebuilt; emitter-appended) ---
"""Pipeline reference for scband-sparse-down-projector-46359876993222 (READ-ONLY COPY).

The authoritative reference and input builder live on the scoring server;
editing this copy changes nothing except your own understanding.
"""

import jax, jax.numpy as jnp
import numpy as np

VOCAB_SIZE = 250002
UNUSED_TOKENS = jnp.array([0, 2, 1, 3], dtype=jnp.int32)  # cls, eos, pad, unk


def setup_inputs(seed: int = 0) -> dict:
    key = jax.random.key(seed)
    k1, k2, k3 = jax.random.split(key, 3)
    hidden_states = jax.random.normal(k1, (64, 512, 1024), dtype=jnp.float32)
    input_ids = jax.random.randint(k2, (64, 512), 0, VOCAB_SIZE, dtype=jnp.int32)
    # learned params of nn.Linear(hidden_dim=1024, output_dim=1, bias=True)
    W = jax.random.normal(k3, (1, 1024), dtype=jnp.float32) * 0.02
    b = jnp.zeros((1,), dtype=jnp.float32)
    return {"hidden_states": hidden_states, "W": W, "b": b, "input_ids": input_ids}


def reference(hidden_states, W, b, input_ids):
    # token_weights = linear(hidden_states): [B, L, 1]
    token_weights = jnp.einsum('bld,od->blo', hidden_states, W) + b
    tw = token_weights[..., 0]  # [B, L]
    batch_size = hidden_states.shape[0]
    # scatter_reduce_(dim=1, index=input_ids, src=tw, reduce='amax', include_self=False)
    # include_self=False -> init targeted slots to -inf, max-scatter, untouched slots keep 0
    sparse = jnp.full((batch_size, VOCAB_SIZE), -jnp.inf, dtype=tw.dtype)
    rows = jnp.arange(batch_size, dtype=jnp.int32)[:, None]
    sparse = sparse.at[rows, input_ids].max(tw)
    sparse = jnp.where(jnp.isneginf(sparse), jnp.zeros_like(sparse), sparse)
    # zero out unused special tokens
    sparse = sparse.at[:, UNUSED_TOKENS].set(0.0)
    return sparse

if __name__ == "__main__":
    import jax
    _d = setup_inputs()
    print(jax.jit(kernel)(*tuple(_d.values())))

</pallas_src>

<mosaic_0001>
#map = affine_map<(d0, d1) -> (0, 0, 0)>
#map1 = affine_map<(d0, d1) -> (0)>
module attributes {stable_mosaic.version = 14 : i64} {
  func.func @_sc_scatter_body(%arg0: i32, %arg1: i32, %arg2: memref<32x8x128xi32, #tpu.memory_space<hbm>>, %arg3: memref<32x8x128xf32, #tpu.memory_space<hbm>>, %arg4: memref<15632xf32, #tpu.memory_space<hbm>>, %arg5: memref<16007168xf32, #tpu.memory_space<hbm>>, %arg6: memref<8x128xi32, #tpu.memory_space<vmem>>, %arg7: memref<8x128xf32, #tpu.memory_space<vmem>>, %arg8: memref<15632xf32, #tpu.memory_space<vmem>>, %arg9: memref<!tpu.dma_semaphore, #tpu.memory_space<semaphore_mem>>, %arg10: memref<!tpu.dma_semaphore, #tpu.memory_space<semaphore_mem>>, %arg11: memref<!tpu.dma_semaphore, #tpu.memory_space<semaphore_mem>>) attributes {dimension_semantics = [#tpu.dimension_semantics<core_parallel>, #tpu.dimension_semantics<subcore_parallel>], iteration_bounds = array<i64: 2, 16>, scalar_prefetch = 0 : i64, scratch_operands = 6 : i64, tpu.core_type = #tpu.core_type<sc_vector_subcore>, window_params = [{transform_indices = #map}, {transform_indices = #map}, {transform_indices = #map1}, {transform_indices = #map1}]} {
    %mul3A = arith.constant 16 : i32
    %mul3A_0 = arith.muli %arg0, %mul3A : i32
    %add3A = arith.addi %mul3A_0, %arg1 : i32
    tpu.enqueue_dma source(%arg4 : memref<15632xf32, #tpu.memory_space<hbm>>) target(%arg8 : memref<15632xf32, #tpu.memory_space<vmem>>) target_semaphore(%arg10 : memref<!tpu.dma_semaphore, #tpu.memory_space<semaphore_mem>>)
    %dma_start3A = arith.constant 0 : i32
    %dma_start3A_1 = arith.constant 0 : i32
    %dma_start3A_2 = tpu.memref_slice %arg2[%add3A, %dma_start3A, %dma_start3A_1] : memref<32x8x128xi32, #tpu.memory_space<hbm>> -> memref<1x8x128xi32, #tpu.memory_space<hbm>>
    %dma_start3A_3 = tpu.memref_squeeze %dma_start3A_2 : memref<1x8x128xi32, #tpu.memory_space<hbm>> -> memref<8x128xi32, #tpu.memory_space<hbm>>
    %dma_start3A_4 = arith.constant 0 : i32
    %dma_start3A_5 = arith.constant 0 : i32
    %dma_start3A_6 = tpu.memref_slice %arg2[%add3A, %dma_start3A_4, %dma_start3A_5] : memref<32x8x128xi32, #tpu.memory_space<hbm>> -> memref<1x8x128xi32, #tpu.memory_space<hbm>>
    %dma_start3A_7 = tpu.memref_squeeze %dma_start3A_6 : memref<1x8x128xi32, #tpu.memory_space<hbm>> -> memref<8x128xi32, #tpu.memory_space<hbm>>
    tpu.enqueue_dma source(%dma_start3A_7 : memref<8x128xi32, #tpu.memory_space<hbm>>) target(%arg6 : memref<8x128xi32, #tpu.memory_space<vmem>>) target_semaphore(%arg9 : memref<!tpu.dma_semaphore, #tpu.memory_space<semaphore_mem>>)
    %dma_start3A_8 = arith.constant 0 : i32
    %dma_start3A_9 = arith.constant 0 : i32
    %dma_start3A_10 = tpu.memref_slice %arg3[%add3A, %dma_start3A_8, %dma_start3A_9] : memref<32x8x128xf32, #tpu.memory_space<hbm>> -> memref<1x8x128xf32, #tpu.memory_space<hbm>>
    %dma_start3A_11 = tpu.memref_squeeze %dma_start3A_10 : memref<1x8x128xf32, #tpu.memory_space<hbm>> -> memref<8x128xf32, #tpu.memory_space<hbm>>
    %dma_start3A_12 = arith.constant 0 : i32
    %dma_start3A_13 = arith.constant 0 : i32
    %dma_start3A_14 = tpu.memref_slice %arg3[%add3A, %dma_start3A_12, %dma_start3A_13] : memref<32x8x128xf32, #tpu.memory_space<hbm>> -> memref<1x8x128xf32, #tpu.memory_space<hbm>>
    %dma_start3A_15 = tpu.memref_squeeze %dma_start3A_14 : memref<1x8x128xf32, #tpu.memory_space<hbm>> -> memref<8x128xf32, #tpu.memory_space<hbm>>
    tpu.enqueue_dma source(%dma_start3A_15 : memref<8x128xf32, #tpu.memory_space<hbm>>) target(%arg7 : memref<8x128xf32, #tpu.memory_space<vmem>>) target_semaphore(%arg9 : memref<!tpu.dma_semaphore, #tpu.memory_space<semaphore_mem>>)
    %mul3A_16 = arith.constant 500224 : i32
    %mul3A_17 = arith.muli %add3A, %mul3A_16 : i32
    tpu.wait_dma2 semaphore(%arg10 : memref<!tpu.dma_semaphore, #tpu.memory_space<semaphore_mem>>) src(%arg4 : memref<15632xf32, #tpu.memory_space<hbm>>) dst(%arg8 : memref<15632xf32, #tpu.memory_space<vmem>>)
    %add3A_18 = arith.constant 0 : i32
    %add3A_19 = arith.addi %mul3A_17, %add3A_18 : i32
    %multiple_of3A = tpu.assume_multiple %add3A_19, 8 : i32
    %dma_start3A_20 = tpu.memref_slice %arg5[%multiple_of3A] : memref<16007168xf32, #tpu.memory_space<hbm>> -> memref<15632xf32, #tpu.memory_space<hbm>>
    %dma_start3A_21 = tpu.memref_slice %arg5[%multiple_of3A] : memref<16007168xf32, #tpu.memory_space<hbm>> -> memref<15632xf32, #tpu.memory_space<hbm>>
    tpu.enqueue_dma source(%arg8 : memref<15632xf32, #tpu.memory_space<vmem>>) target(%dma_start3A_21 : memref<15632xf32, #tpu.memory_space<hbm>>) target_semaphore(%arg10 : memref<!tpu.dma_semaphore, #tpu.memory_space<semaphore_mem>>)
    %add3A_22 = arith.constant 15632 : i32
    %add3A_23 = arith.addi %mul3A_17, %add3A_22 : i32
    %multiple_of3A_24 = tpu.assume_multiple %add3A_23, 8 : i32
    %dma_start3A_25 = tpu.memref_slice %arg5[%multiple_of3A_24] : memref<16007168xf32, #tpu.memory_space<hbm>> -> memref<15632xf32, #tpu.memory_space<hbm>>
    %dma_start3A_26 = tpu.memref_slice %arg5[%multiple_of3A_24] : memref<16007168xf32, #tpu.memory_space<hbm>> -> memref<15632xf32, #tpu.memory_space<hbm>>
    tpu.enqueue_dma source(%arg8 : memref<15632xf32, #tpu.memory_space<vmem>>) target(%dma_start3A_26 : memref<15632xf32, #tpu.memory_space<hbm>>) target_semaphore(%arg10 : memref<!tpu.dma_semaphore, #tpu.memory_space<semaphore_mem>>)
    %add3A_27 = arith.constant 31264 : i32
    %add3A_28 = arith.addi %mul3A_17, %add3A_27 : i32
    %multiple_of3A_29 = tpu.assume_multiple %add3A_28, 8 : i32
    %dma_start3A_30 = tpu.memref_slice %arg5[%multiple_of3A_29] : memref<16007168xf32, #tpu.memory_space<hbm>> -> memref<15632xf32, #tpu.memory_space<hbm>>
    %dma_start3A_31 = tpu.memref_slice %arg5[%multiple_of3A_29] : memref<16007168xf32, #tpu.memory_space<hbm>> -> memref<15632xf32, #tpu.memory_space<hbm>>
    tpu.enqueue_dma source(%arg8 : memref<15632xf32, #tpu.memory_space<vmem>>) target(%dma_start3A_31 : memref<15632xf32, #tpu.memory_space<hbm>>) target_semaphore(%arg10 : memref<!tpu.dma_semaphore, #tpu.memory_space<semaphore_mem>>)
    %add3A_32 = arith.constant 46896 : i32
    %add3A_33 = arith.addi %mul3A_17, %add3A_32 : i32
    %multiple_of3A_34 = tpu.assume_multiple %add3A_33, 8 : i32
    %dma_start3A_35 = tpu.memref_slice %arg5[%multiple_of3A_34] : memref<16007168xf32, #tpu.memory_space<hbm>> -> memref<15632xf32, #tpu.memory_space<hbm>>
    %dma_start3A_36 = tpu.memref_slice %arg5[%multiple_of3A_34] : memref<16007168xf32, #tpu.memory_space<hbm>> -> memref<15632xf32, #tpu.memory_space<hbm>>
    tpu.enqueue_dma source(%arg8 : memref<15632xf32, #tpu.memory_space<vmem>>) target(%dma_start3A_36 : memref<15632xf32, #tpu.memory_space<hbm>>) target_semaphore(%arg10 : memref<!tpu.dma_semaphore, #tpu.memory_space<semaphore_mem>>)
    %add3A_37 = arith.constant 62528 : i32
    %add3A_38 = arith.addi %mul3A_17, %add3A_37 : i32
    %multiple_of3A_39 = tpu.assume_multiple %add3A_38, 8 : i32
    %dma_start3A_40 = tpu.memref_slice %arg5[%multiple_of3A_39] : memref<16007168xf32, #tpu.memory_space<hbm>> -> memref<15632xf32, #tpu.memory_space<hbm>>
    %dma_start3A_41 = tpu.memref_slice %arg5[%multiple_of3A_39] : memref<16007168xf32, #tpu.memory_space<hbm>> -> memref<15632xf32, #tpu.memory_space<hbm>>
    tpu.enqueue_dma source(%arg8 : memref<15632xf32, #tpu.memory_space<vmem>>) target(%dma_start3A_41 : memref<15632xf32, #tpu.memory_space<hbm>>) target_semaphore(%arg10 : memref<!tpu.dma_semaphore, #tpu.memory_space<semaphore_mem>>)
    %add3A_42 = arith.constant 78160 : i32
    %add3A_43 = arith.addi %mul3A_17, %add3A_42 : i32
    %multiple_of3A_44 = tpu.assume_multiple %add3A_43, 8 : i32
    %dma_start3A_45 = tpu.memref_slice %arg5[%multiple_of3A_44] : memref<16007168xf32, #tpu.memory_space<hbm>> -> memref<15632xf32, #tpu.memory_space<hbm>>
    %dma_start3A_46 = tpu.memref_slice %arg5[%multiple_of3A_44] : memref<16007168xf32, #tpu.memory_space<hbm>> -> memref<15632xf32, #tpu.memory_space<hbm>>
    tpu.enqueue_dma source(%arg8 : memref<15632xf32, #tpu.memory_space<vmem>>) target(%dma_start3A_46 : memref<15632xf32, #tpu.memory_space<hbm>>) target_semaphore(%arg10 : memref<!tpu.dma_semaphore, #tpu.memory_space<semaphore_mem>>)
    %add3A_47 = arith.constant 93792 : i32
    %add3A_48 = arith.addi %mul3A_17, %add3A_47 : i32
    %multiple_of3A_49 = tpu.assume_multiple %add3A_48, 8 : i32
    %dma_start3A_50 = tpu.memref_slice %arg5[%multiple_of3A_49] : memref<16007168xf32, #tpu.memory_space<hbm>> -> memref<15632xf32, #tpu.memory_space<hbm>>
    %dma_start3A_51 = tpu.memref_slice %arg5[%multiple_of3A_49] : memref<16007168xf32, #tpu.memory_space<hbm>> -> memref<15632xf32, #tpu.memory_space<hbm>>
    tpu.enqueue_dma source(%arg8 : memref<15632xf32, #tpu.memory_space<vmem>>) target(%dma_start3A_51 : memref<15632xf32, #tpu.memory_space<hbm>>) target_semaphore(%arg10 : memref<!tpu.dma_semaphore, #tpu.memory_space<semaphore_mem>>)
    %add3A_52 = arith.constant 109424 : i32
    %add3A_53 = arith.addi %mul3A_17, %add3A_52 : i32
    %multiple_of3A_54 = tpu.assume_multiple %add3A_53, 8 : i32
    %dma_start3A_55 = tpu.memref_slice %arg5[%multiple_of3A_54] : memref<16007168xf32, #tpu.memory_space<hbm>> -> memref<15632xf32, #tpu.memory_space<hbm>>
    %dma_start3A_56 = tpu.memref_slice %arg5[%multiple_of3A_54] : memref<16007168xf32, #tpu.memory_space<hbm>> -> memref<15632xf32, #tpu.memory_space<hbm>>
    tpu.enqueue_dma source(%arg8 : memref<15632xf32, #tpu.memory_space<vmem>>) target(%dma_start3A_56 : memref<15632xf32, #tpu.memory_space<hbm>>) target_semaphore(%arg10 : memref<!tpu.dma_semaphore, #tpu.memory_space<semaphore_mem>>)
    %add3A_57 = arith.constant 125056 : i32
    %add3A_58 = arith.addi %mul3A_17, %add3A_57 : i32
    %multiple_of3A_59 = tpu.assume_multiple %add3A_58, 8 : i32
    %dma_start3A_60 = tpu.memref_slice %arg5[%multiple_of3A_59] : memref<16007168xf32, #tpu.memory_space<hbm>> -> memref<15632xf32, #tpu.memory_space<hbm>>
    %dma_start3A_61 = tpu.memref_slice %arg5[%multiple_of3A_59] : memref<16007168xf32, #tpu.memory_space<hbm>> -> memref<15632xf32, #tpu.memory_space<hbm>>
    tpu.enqueue_dma source(%arg8 : memref<15632xf32, #tpu.memory_space<vmem>>) target(%dma_start3A_61 : memref<15632xf32, #tpu.memory_space<hbm>>) target_semaphore(%arg10 : memref<!tpu.dma_semaphore, #tpu.memory_space<semaphore_mem>>)
    %add3A_62 = arith.constant 140688 : i32
    %add3A_63 = arith.addi %mul3A_17, %add3A_62 : i32
    %multiple_of3A_64 = tpu.assume_multiple %add3A_63, 8 : i32
    %dma_start3A_65 = tpu.memref_slice %arg5[%multiple_of3A_64] : memref<16007168xf32, #tpu.memory_space<hbm>> -> memref<15632xf32, #tpu.memory_space<hbm>>
    %dma_start3A_66 = tpu.memref_slice %arg5[%multiple_of3A_64] : memref<16007168xf32, #tpu.memory_space<hbm>> -> memref<15632xf32, #tpu.memory_space<hbm>>
    tpu.enqueue_dma source(%arg8 : memref<15632xf32, #tpu.memory_space<vmem>>) target(%dma_start3A_66 : memref<15632xf32, #tpu.memory_space<hbm>>) target_semaphore(%arg10 : memref<!tpu.dma_semaphore, #tpu.memory_space<semaphore_mem>>)
    %add3A_67 = arith.constant 156320 : i32
    %add3A_68 = arith.addi %mul3A_17, %add3A_67 : i32
    %multiple_of3A_69 = tpu.assume_multiple %add3A_68, 8 : i32
    %dma_start3A_70 = tpu.memref_slice %arg5[%multiple_of3A_69] : memref<16007168xf32, #tpu.memory_space<hbm>> -> memref<15632xf32, #tpu.memory_space<hbm>>
    %dma_start3A_71 = tpu.memref_slice %arg5[%multiple_of3A_69] : memref<16007168xf32, #tpu.memory_space<hbm>> -> memref<15632xf32, #tpu.memory_space<hbm>>
    tpu.enqueue_dma source(%arg8 : memref<15632xf32, #tpu.memory_space<vmem>>) target(%dma_start3A_71 : memref<15632xf32, #tpu.memory_space<hbm>>) target_semaphore(%arg10 : memref<!tpu.dma_semaphore, #tpu.memory_space<semaphore_mem>>)
    %add3A_72 = arith.constant 171952 : i32
    %add3A_73 = arith.addi %mul3A_17, %add3A_72 : i32
    %multiple_of3A_74 = tpu.assume_multiple %add3A_73, 8 : i32
    %dma_start3A_75 = tpu.memref_slice %arg5[%multiple_of3A_74] : memref<16007168xf32, #tpu.memory_space<hbm>> -> memref<15632xf32, #tpu.memory_space<hbm>>
    %dma_start3A_76 = tpu.memref_slice %arg5[%multiple_of3A_74] : memref<16007168xf32, #tpu.memory_space<hbm>> -> memref<15632xf32, #tpu.memory_space<hbm>>
    tpu.enqueue_dma source(%arg8 : memref<15632xf32, #tpu.memory_space<vmem>>) target(%dma_start3A_76 : memref<15632xf32, #tpu.memory_space<hbm>>) target_semaphore(%arg10 : memref<!tpu.dma_semaphore, #tpu.memory_space<semaphore_mem>>)
    %add3A_77 = arith.constant 187584 : i32
    %add3A_78 = arith.addi %mul3A_17, %add3A_77 : i32
    %multiple_of3A_79 = tpu.assume_multiple %add3A_78, 8 : i32
    %dma_start3A_80 = tpu.memref_slice %arg5[%multiple_of3A_79] : memref<16007168xf32, #tpu.memory_space<hbm>> -> memref<15632xf32, #tpu.memory_space<hbm>>
    %dma_start3A_81 = tpu.memref_slice %arg5[%multiple_of3A_79] : memref<16007168xf32, #tpu.memory_space<hbm>> -> memref<15632xf32, #tpu.memory_space<hbm>>
    tpu.enqueue_dma source(%arg8 : memref<15632xf32, #tpu.memory_space<vmem>>) target(%dma_start3A_81 : memref<15632xf32, #tpu.memory_space<hbm>>) target_semaphore(%arg10 : memref<!tpu.dma_semaphore, #tpu.memory_space<semaphore_mem>>)
    %add3A_82 = arith.constant 203216 : i32
    %add3A_83 = arith.addi %mul3A_17, %add3A_82 : i32
    %multiple_of3A_84 = tpu.assume_multiple %add3A_83, 8 : i32
    %dma_start3A_85 = tpu.memref_slice %arg5[%multiple_of3A_84] : memref<16007168xf32, #tpu.memory_space<hbm>> -> memref<15632xf32, #tpu.memory_space<hbm>>
    %dma_start3A_86 = tpu.memref_slice %arg5[%multiple_of3A_84] : memref<16007168xf32, #tpu.memory_space<hbm>> -> memref<15632xf32, #tpu.memory_space<hbm>>
    tpu.enqueue_dma source(%arg8 : memref<15632xf32, #tpu.memory_space<vmem>>) target(%dma_start3A_86 : memref<15632xf32, #tpu.memory_space<hbm>>) target_semaphore(%arg10 : memref<!tpu.dma_semaphore, #tpu.memory_space<semaphore_mem>>)
    %add3A_87 = arith.constant 218848 : i32
    %add3A_88 = arith.addi %mul3A_17, %add3A_87 : i32
    %multiple_of3A_89 = tpu.assume_multiple %add3A_88, 8 : i32
    %dma_start3A_90 = tpu.memref_slice %arg5[%multiple_of3A_89] : memref<16007168xf32, #tpu.memory_space<hbm>> -> memref<15632xf32, #tpu.memory_space<hbm>>
    %dma_start3A_91 = tpu.memref_slice %arg5[%multiple_of3A_89] : memref<16007168xf32, #tpu.memory_space<hbm>> -> memref<15632xf32, #tpu.memory_space<hbm>>
    tpu.enqueue_dma source(%arg8 : memref<15632xf32, #tpu.memory_space<vmem>>) target(%dma_start3A_91 : memref<15632xf32, #tpu.memory_space<hbm>>) target_semaphore(%arg10 : memref<!tpu.dma_semaphore, #tpu.memory_space<semaphore_mem>>)
    %add3A_92 = arith.constant 234480 : i32
    %add3A_93 = arith.addi %mul3A_17, %add3A_92 : i32
    %multiple_of3A_94 = tpu.assume_multiple %add3A_93, 8 : i32
    %dma_start3A_95 = tpu.memref_slice %arg5[%multiple_of3A_94] : memref<16007168xf32, #tpu.memory_space<hbm>> -> memref<15632xf32, #tpu.memory_space<hbm>>
    %dma_start3A_96 = tpu.memref_slice %arg5[%multiple_of3A_94] : memref<16007168xf32, #tpu.memory_space<hbm>> -> memref<15632xf32, #tpu.memory_space<hbm>>
    tpu.enqueue_dma source(%arg8 : memref<15632xf32, #tpu.memory_space<vmem>>) target(%dma_start3A_96 : memref<15632xf32, #tpu.memory_space<hbm>>) target_semaphore(%arg10 : memref<!tpu.dma_semaphore, #tpu.memory_space<semaphore_mem>>)
    %add3A_97 = arith.constant 250112 : i32
    %add3A_98 = arith.addi %mul3A_17, %add3A_97 : i32
    %multiple_of3A_99 = tpu.assume_multiple %add3A_98, 8 : i32
    %dma_start3A_100 = tpu.memref_slice %arg5[%multiple_of3A_99] : memref<16007168xf32, #tpu.memory_space<hbm>> -> memref<15632xf32, #tpu.memory_space<hbm>>
    %dma_start3A_101 = tpu.memref_slice %arg5[%multiple_of3A_99] : memref<16007168xf32, #tpu.memory_space<hbm>> -> memref<15632xf32, #tpu.memory_space<hbm>>
    tpu.enqueue_dma source(%arg8 : memref<15632xf32, #tpu.memory_space<vmem>>) target(%dma_start3A_101 : memref<15632xf32, #tpu.memory_space<hbm>>) target_semaphore(%arg10 : memref<!tpu.dma_semaphore, #tpu.memory_space<semaphore_mem>>)
    %add3A_102 = arith.constant 265744 : i32
    %add3A_103 = arith.addi %mul3A_17, %add3A_102 : i32
    %multiple_of3A_104 = tpu.assume_multiple %add3A_103, 8 : i32
    %dma_start3A_105 = tpu.memref_slice %arg5[%multiple_of3A_104] : memref<16007168xf32, #tpu.memory_space<hbm>> -> memref<15632xf32, #tpu.memory_space<hbm>>
    %dma_start3A_106 = tpu.memref_slice %arg5[%multiple_of3A_104] : memref<16007168xf32, #tpu.memory_space<hbm>> -> memref<15632xf32, #tpu.memory_space<hbm>>
    tpu.enqueue_dma source(%arg8 : memref<15632xf32, #tpu.memory_space<vmem>>) target(%dma_start3A_106 : memref<15632xf32, #tpu.memory_space<hbm>>) target_semaphore(%arg10 : memref<!tpu.dma_semaphore, #tpu.memory_space<semaphore_mem>>)
    %add3A_107 = arith.constant 281376 : i32
    %add3A_108 = arith.addi %mul3A_17, %add3A_107 : i32
    %multiple_of3A_109 = tpu.assume_multiple %add3A_108, 8 : i32
    %dma_start3A_110 = tpu.memref_slice %arg5[%multiple_of3A_109] : memref<16007168xf32, #tpu.memory_space<hbm>> -> memref<15632xf32, #tpu.memory_space<hbm>>
    %dma_start3A_111 = tpu.memref_slice %arg5[%multiple_of3A_109] : memref<16007168xf32, #tpu.memory_space<hbm>> -> memref<15632xf32, #tpu.memory_space<hbm>>
    tpu.enqueue_dma source(%arg8 : memref<15632xf32, #tpu.memory_space<vmem>>) target(%dma_start3A_111 : memref<15632xf32, #tpu.memory_space<hbm>>) target_semaphore(%arg10 : memref<!tpu.dma_semaphore, #tpu.memory_space<semaphore_mem>>)
    %add3A_112 = arith.constant 297008 : i32
    %add3A_113 = arith.addi %mul3A_17, %add3A_112 : i32
    %multiple_of3A_114 = tpu.assume_multiple %add3A_113, 8 : i32
    %dma_start3A_115 = tpu.memref_slice %arg5[%multiple_of3A_114] : memref<16007168xf32, #tpu.memory_space<hbm>> -> memref<15632xf32, #tpu.memory_space<hbm>>
    %dma_start3A_116 = tpu.memref_slice %arg5[%multiple_of3A_114] : memref<16007168xf32, #tpu.memory_space<hbm>> -> memref<15632xf32, #tpu.memory_space<hbm>>
    tpu.enqueue_dma source(%arg8 : memref<15632xf32, #tpu.memory_space<vmem>>) target(%dma_start3A_116 : memref<15632xf32, #tpu.memory_space<hbm>>) target_semaphore(%arg10 : memref<!tpu.dma_semaphore, #tpu.memory_space<semaphore_mem>>)
    %add3A_117 = arith.constant 312640 : i32
    %add3A_118 = arith.addi %mul3A_17, %add3A_117 : i32
    %multiple_of3A_119 = tpu.assume_multiple %add3A_118, 8 : i32
    %dma_start3A_120 = tpu.memref_slice %arg5[%multiple_of3A_119] : memref<16007168xf32, #tpu.memory_space<hbm>> -> memref<15632xf32, #tpu.memory_space<hbm>>
    %dma_start3A_121 = tpu.memref_slice %arg5[%multiple_of3A_119] : memref<16007168xf32, #tpu.memory_space<hbm>> -> memref<15632xf32, #tpu.memory_space<hbm>>
    tpu.enqueue_dma source(%arg8 : memref<15632xf32, #tpu.memory_space<vmem>>) target(%dma_start3A_121 : memref<15632xf32, #tpu.memory_space<hbm>>) target_semaphore(%arg10 : memref<!tpu.dma_semaphore, #tpu.memory_space<semaphore_mem>>)
    %add3A_122 = arith.constant 328272 : i32
    %add3A_123 = arith.addi %mul3A_17, %add3A_122 : i32
    %multiple_of3A_124 = tpu.assume_multiple %add3A_123, 8 : i32
    %dma_start3A_125 = tpu.memref_slice %arg5[%multiple_of3A_124] : memref<16007168xf32, #tpu.memory_space<hbm>> -> memref<15632xf32, #tpu.memory_space<hbm>>
    %dma_start3A_126 = tpu.memref_slice %arg5[%multiple_of3A_124] : memref<16007168xf32, #tpu.memory_space<hbm>> -> memref<15632xf32, #tpu.memory_space<hbm>>
    tpu.enqueue_dma source(%arg8 : memref<15632xf32, #tpu.memory_space<vmem>>) target(%dma_start3A_126 : memref<15632xf32, #tpu.memory_space<hbm>>) target_semaphore(%arg10 : memref<!tpu.dma_semaphore, #tpu.memory_space<semaphore_mem>>)
    %add3A_127 = arith.constant 343904 : i32
    %add3A_128 = arith.addi %mul3A_17, %add3A_127 : i32
    %multiple_of3A_129 = tpu.assume_multiple %add3A_128, 8 : i32
    %dma_start3A_130 = tpu.memref_slice %arg5[%multiple_of3A_129] : memref<16007168xf32, #tpu.memory_space<hbm>> -> memref<15632xf32, #tpu.memory_space<hbm>>
    %dma_start3A_131 = tpu.memref_slice %arg5[%multiple_of3A_129] : memref<16007168xf32, #tpu.memory_space<hbm>> -> memref<15632xf32, #tpu.memory_space<hbm>>
    tpu.enqueue_dma source(%arg8 : memref<15632xf32, #tpu.memory_space<vmem>>) target(%dma_start3A_131 : memref<15632xf32, #tpu.memory_space<hbm>>) target_semaphore(%arg10 : memref<!tpu.dma_semaphore, #tpu.memory_space<semaphore_mem>>)
    %add3A_132 = arith.constant 359536 : i32
    %add3A_133 = arith.addi %mul3A_17, %add3A_132 : i32
    %multiple_of3A_134 = tpu.assume_multiple %add3A_133, 8 : i32
    %dma_start3A_135 = tpu.memref_slice %arg5[%multiple_of3A_134] : memref<16007168xf32, #tpu.memory_space<hbm>> -> memref<15632xf32, #tpu.memory_space<hbm>>
    %dma_start3A_136 = tpu.memref_slice %arg5[%multiple_of3A_134] : memref<16007168xf32, #tpu.memory_space<hbm>> -> memref<15632xf32, #tpu.memory_space<hbm>>
    tpu.enqueue_dma source(%arg8 : memref<15632xf32, #tpu.memory_space<vmem>>) target(%dma_start3A_136 : memref<15632xf32, #tpu.memory_space<hbm>>) target_semaphore(%arg10 : memref<!tpu.dma_semaphore, #tpu.memory_space<semaphore_mem>>)
    %add3A_137 = arith.constant 375168 : i32
    %add3A_138 = arith.addi %mul3A_17, %add3A_137 : i32
    %multiple_of3A_139 = tpu.assume_multiple %add3A_138, 8 : i32
    %dma_start3A_140 = tpu.memref_slice %arg5[%multiple_of3A_139] : memref<16007168xf32, #tpu.memory_space<hbm>> -> memref<15632xf32, #tpu.memory_space<hbm>>
    %dma_start3A_141 = tpu.memref_slice %arg5[%multiple_of3A_139] : memref<16007168xf32, #tpu.memory_space<hbm>> -> memref<15632xf32, #tpu.memory_space<hbm>>
    tpu.enqueue_dma source(%arg8 : memref<15632xf32, #tpu.memory_space<vmem>>) target(%dma_start3A_141 : memref<15632xf32, #tpu.memory_space<hbm>>) target_semaphore(%arg10 : memref<!tpu.dma_semaphore, #tpu.memory_space<semaphore_mem>>)
    %add3A_142 = arith.constant 390800 : i32
    %add3A_143 = arith.addi %mul3A_17, %add3A_142 : i32
    %multiple_of3A_144 = tpu.assume_multiple %add3A_143, 8 : i32
    %dma_start3A_145 = tpu.memref_slice %arg5[%multiple_of3A_144] : memref<16007168xf32, #tpu.memory_space<hbm>> -> memref<15632xf32, #tpu.memory_space<hbm>>
    %dma_start3A_146 = tpu.memref_slice %arg5[%multiple_of3A_144] : memref<16007168xf32, #tpu.memory_space<hbm>> -> memref<15632xf32, #tpu.memory_space<hbm>>
    tpu.enqueue_dma source(%arg8 : memref<15632xf32, #tpu.memory_space<vmem>>) target(%dma_start3A_146 : memref<15632xf32, #tpu.memory_space<hbm>>) target_semaphore(%arg10 : memref<!tpu.dma_semaphore, #tpu.memory_space<semaphore_mem>>)
    %add3A_147 = arith.constant 406432 : i32
    %add3A_148 = arith.addi %mul3A_17, %add3A_147 : i32
    %multiple_of3A_149 = tpu.assume_multiple %add3A_148, 8 : i32
    %dma_start3A_150 = tpu.memref_slice %arg5[%multiple_of3A_149] : memref<16007168xf32, #tpu.memory_space<hbm>> -> memref<15632xf32, #tpu.memory_space<hbm>>
    %dma_start3A_151 = tpu.memref_slice %arg5[%multiple_of3A_149] : memref<16007168xf32, #tpu.memory_space<hbm>> -> memref<15632xf32, #tpu.memory_space<hbm>>
    tpu.enqueue_dma source(%arg8 : memref<15632xf32, #tpu.memory_space<vmem>>) target(%dma_start3A_151 : memref<15632xf32, #tpu.memory_space<hbm>>) target_semaphore(%arg10 : memref<!tpu.dma_semaphore, #tpu.memory_space<semaphore_mem>>)
    %add3A_152 = arith.constant 422064 : i32
    %add3A_153 = arith.addi %mul3A_17, %add3A_152 : i32
    %multiple_of3A_154 = tpu.assume_multiple %add3A_153, 8 : i32
    %dma_start3A_155 = tpu.memref_slice %arg5[%multiple_of3A_154] : memref<16007168xf32, #tpu.memory_space<hbm>> -> memref<15632xf32, #tpu.memory_space<hbm>>
    %dma_start3A_156 = tpu.memref_slice %arg5[%multiple_of3A_154] : memref<16007168xf32, #tpu.memory_space<hbm>> -> memref<15632xf32, #tpu.memory_space<hbm>>
    tpu.enqueue_dma source(%arg8 : memref<15632xf32, #tpu.memory_space<vmem>>) target(%dma_start3A_156 : memref<15632xf32, #tpu.memory_space<hbm>>) target_semaphore(%arg10 : memref<!tpu.dma_semaphore, #tpu.memory_space<semaphore_mem>>)
    %add3A_157 = arith.constant 437696 : i32
    %add3A_158 = arith.addi %mul3A_17, %add3A_157 : i32
    %multiple_of3A_159 = tpu.assume_multiple %add3A_158, 8 : i32
    %dma_start3A_160 = tpu.memref_slice %arg5[%multiple_of3A_159] : memref<16007168xf32, #tpu.memory_space<hbm>> -> memref<15632xf32, #tpu.memory_space<hbm>>
    %dma_start3A_161 = tpu.memref_slice %arg5[%multiple_of3A_159] : memref<16007168xf32, #tpu.memory_space<hbm>> -> memref<15632xf32, #tpu.memory_space<hbm>>
    tpu.enqueue_dma source(%arg8 : memref<15632xf32, #tpu.memory_space<vmem>>) target(%dma_start3A_161 : memref<15632xf32, #tpu.memory_space<hbm>>) target_semaphore(%arg10 : memref<!tpu.dma_semaphore, #tpu.memory_space<semaphore_mem>>)
    %add3A_162 = arith.constant 453328 : i32
    %add3A_163 = arith.addi %mul3A_17, %add3A_162 : i32
    %multiple_of3A_164 = tpu.assume_multiple %add3A_163, 8 : i32
    %dma_start3A_165 = tpu.memref_slice %arg5[%multiple_of3A_164] : memref<16007168xf32, #tpu.memory_space<hbm>> -> memref<15632xf32, #tpu.memory_space<hbm>>
    %dma_start3A_166 = tpu.memref_slice %arg5[%multiple_of3A_164] : memref<16007168xf32, #tpu.memory_space<hbm>> -> memref<15632xf32, #tpu.memory_space<hbm>>
    tpu.enqueue_dma source(%arg8 : memref<15632xf32, #tpu.memory_space<vmem>>) target(%dma_start3A_166 : memref<15632xf32, #tpu.memory_space<hbm>>) target_semaphore(%arg10 : memref<!tpu.dma_semaphore, #tpu.memory_space<semaphore_mem>>)
    %add3A_167 = arith.constant 468960 : i32
    %add3A_168 = arith.addi %mul3A_17, %add3A_167 : i32
    %multiple_of3A_169 = tpu.assume_multiple %add3A_168, 8 : i32
    %dma_start3A_170 = tpu.memref_slice %arg5[%multiple_of3A_169] : memref<16007168xf32, #tpu.memory_space<hbm>> -> memref<15632xf32, #tpu.memory_space<hbm>>
    %dma_start3A_171 = tpu.memref_slice %arg5[%multiple_of3A_169] : memref<16007168xf32, #tpu.memory_space<hbm>> -> memref<15632xf32, #tpu.memory_space<hbm>>
    tpu.enqueue_dma source(%arg8 : memref<15632xf32, #tpu.memory_space<vmem>>) target(%dma_start3A_171 : memref<15632xf32, #tpu.memory_space<hbm>>) target_semaphore(%arg10 : memref<!tpu.dma_semaphore, #tpu.memory_space<semaphore_mem>>)
    %add3A_172 = arith.constant 484592 : i32
    %add3A_173 = arith.addi %mul3A_17, %add3A_172 : i32
    %multiple_of3A_174 = tpu.assume_multiple %add3A_173, 8 : i32
    %dma_start3A_175 = tpu.memref_slice %arg5[%multiple_of3A_174] : memref<16007168xf32, #tpu.memory_space<hbm>> -> memref<15632xf32, #tpu.memory_space<hbm>>
    %dma_start3A_176 = tpu.memref_slice %arg5[%multiple_of3A_174] : memref<16007168xf32, #tpu.memory_space<hbm>> -> memref<15632xf32, #tpu.memory_space<hbm>>
    tpu.enqueue_dma source(%arg8 : memref<15632xf32, #tpu.memory_space<vmem>>) target(%dma_start3A_176 : memref<15632xf32, #tpu.memory_space<hbm>>) target_semaphore(%arg10 : memref<!tpu.dma_semaphore, #tpu.memory_space<semaphore_mem>>)
    %dma_wait3A = tpu.memref_slice %arg5[%multiple_of3A] : memref<16007168xf32, #tpu.memory_space<hbm>> -> memref<15632xf32, #tpu.memory_space<hbm>>
    %dma_wait3A_177 = tpu.memref_slice %arg5[%multiple_of3A] : memref<16007168xf32, #tpu.memory_space<hbm>> -> memref<15632xf32, #tpu.memory_space<hbm>>
    tpu.wait_dma2 semaphore(%arg10 : memref<!tpu.dma_semaphore, #tpu.memory_space<semaphore_mem>>) src(%arg8 : memref<15632xf32, #tpu.memory_space<vmem>>) dst(%dma_wait3A_177 : memref<15632xf32, #tpu.memory_space<hbm>>)
    %dma_wait3A_178 = tpu.memref_slice %arg5[%multiple_of3A_24] : memref<16007168xf32, #tpu.memory_space<hbm>> -> memref<15632xf32, #tpu.memory_space<hbm>>
    %dma_wait3A_179 = tpu.memref_slice %arg5[%multiple_of3A_24] : memref<16007168xf32, #tpu.memory_space<hbm>> -> memref<15632xf32, #tpu.memory_space<hbm>>
    tpu.wait_dma2 semaphore(%arg10 : memref<!tpu.dma_semaphore, #tpu.memory_space<semaphore_mem>>) src(%arg8 : memref<15632xf32, #tpu.memory_space<vmem>>) dst(%dma_wait3A_179 : memref<15632xf32, #tpu.memory_space<hbm>>)
    %dma_wait3A_180 = tpu.memref_slice %arg5[%multiple_of3A_29] : memref<16007168xf32, #tpu.memory_space<hbm>> -> memref<15632xf32, #tpu.memory_space<hbm>>
    %dma_wait3A_181 = tpu.memref_slice %arg5[%multiple_of3A_29] : memref<16007168xf32, #tpu.memory_space<hbm>> -> memref<15632xf32, #tpu.memory_space<hbm>>
    tpu.wait_dma2 semaphore(%arg10 : memref<!tpu.dma_semaphore, #tpu.memory_space<semaphore_mem>>) src(%arg8 : memref<15632xf32, #tpu.memory_space<vmem>>) dst(%dma_wait3A_181 : memref<15632xf32, #tpu.memory_space<hbm>>)
    %dma_wait3A_182 = tpu.memref_slice %arg5[%multiple_of3A_34] : memref<16007168xf32, #tpu.memory_space<hbm>> -> memref<15632xf32, #tpu.memory_space<hbm>>
    %dma_wait3A_183 = tpu.memref_slice %arg5[%multiple_of3A_34] : memref<16007168xf32, #tpu.memory_space<hbm>> -> memref<15632xf32, #tpu.memory_space<hbm>>
    tpu.wait_dma2 semaphore(%arg10 : memref<!tpu.dma_semaphore, #tpu.memory_space<semaphore_mem>>) src(%arg8 : memref<15632xf32, #tpu.memory_space<vmem>>) dst(%dma_wait3A_183 : memref<15632xf32, #tpu.memory_space<hbm>>)
    %dma_wait3A_184 = tpu.memref_slice %arg5[%multiple_of3A_39] : memref<16007168xf32, #tpu.memory_space<hbm>> -> memref<15632xf32, #tpu.memory_space<hbm>>
    %dma_wait3A_185 = tpu.memref_slice %arg5[%multiple_of3A_39] : memref<16007168xf32, #tpu.memory_space<hbm>> -> memref<15632xf32, #tpu.memory_space<hbm>>
    tpu.wait_dma2 semaphore(%arg10 : memref<!tpu.dma_semaphore, #tpu.memory_space<semaphore_mem>>) src(%arg8 : memref<15632xf32, #tpu.memory_space<vmem>>) dst(%dma_wait3A_185 : memref<15632xf32, #tpu.memory_space<hbm>>)
    %dma_wait3A_186 = tpu.memref_slice %arg5[%multiple_of3A_44] : memref<16007168xf32, #tpu.memory_space<hbm>> -> memref<15632xf32, #tpu.memory_space<hbm>>
    %dma_wait3A_187 = tpu.memref_slice %arg5[%multiple_of3A_44] : memref<16007168xf32, #tpu.memory_space<hbm>> -> memref<15632xf32, #tpu.memory_space<hbm>>
    tpu.wait_dma2 semaphore(%arg10 : memref<!tpu.dma_semaphore, #tpu.memory_space<semaphore_mem>>) src(%arg8 : memref<15632xf32, #tpu.memory_space<vmem>>) dst(%dma_wait3A_187 : memref<15632xf32, #tpu.memory_space<hbm>>)
    %dma_wait3A_188 = tpu.memref_slice %arg5[%multiple_of3A_49] : memref<16007168xf32, #tpu.memory_space<hbm>> -> memref<15632xf32, #tpu.memory_space<hbm>>
    %dma_wait3A_189 = tpu.memref_slice %arg5[%multiple_of3A_49] : memref<16007168xf32, #tpu.memory_space<hbm>> -> memref<15632xf32, #tpu.memory_space<hbm>>
    tpu.wait_dma2 semaphore(%arg10 : memref<!tpu.dma_semaphore, #tpu.memory_space<semaphore_mem>>) src(%arg8 : memref<15632xf32, #tpu.memory_space<vmem>>) dst(%dma_wait3A_189 : memref<15632xf32, #tpu.memory_space<hbm>>)
    %dma_wait3A_190 = tpu.memref_slice %arg5[%multiple_of3A_54] : memref<16007168xf32, #tpu.memory_space<hbm>> -> memref<15632xf32, #tpu.memory_space<hbm>>
    %dma_wait3A_191 = tpu.memref_slice %arg5[%multiple_of3A_54] : memref<16007168xf32, #tpu.memory_space<hbm>> -> memref<15632xf32, #tpu.memory_space<hbm>>
    tpu.wait_dma2 semaphore(%arg10 : memref<!tpu.dma_semaphore, #tpu.memory_space<semaphore_mem>>) src(%arg8 : memref<15632xf32, #tpu.memory_space<vmem>>) dst(%dma_wait3A_191 : memref<15632xf32, #tpu.memory_space<hbm>>)
    %dma_wait3A_192 = tpu.memref_slice %arg5[%multiple_of3A_59] : memref<16007168xf32, #tpu.memory_space<hbm>> -> memref<15632xf32, #tpu.memory_space<hbm>>
    %dma_wait3A_193 = tpu.memref_slice %arg5[%multiple_of3A_59] : memref<16007168xf32, #tpu.memory_space<hbm>> -> memref<15632xf32, #tpu.memory_space<hbm>>
    tpu.wait_dma2 semaphore(%arg10 : memref<!tpu.dma_semaphore, #tpu.memory_space<semaphore_mem>>) src(%arg8 : memref<15632xf32, #tpu.memory_space<vmem>>) dst(%dma_wait3A_193 : memref<15632xf32, #tpu.memory_space<hbm>>)
    %dma_wait3A_194 = tpu.memref_slice %arg5[%multiple_of3A_64] : memref<16007168xf32, #tpu.memory_space<hbm>> -> memref<15632xf32, #tpu.memory_space<hbm>>
    %dma_wait3A_195 = tpu.memref_slice %arg5[%multiple_of3A_64] : memref<16007168xf32, #tpu.memory_space<hbm>> -> memref<15632xf32, #tpu.memory_space<hbm>>
    tpu.wait_dma2 semaphore(%arg10 : memref<!tpu.dma_semaphore, #tpu.memory_space<semaphore_mem>>) src(%arg8 : memref<15632xf32, #tpu.memory_space<vmem>>) dst(%dma_wait3A_195 : memref<15632xf32, #tpu.memory_space<hbm>>)
    %dma_wait3A_196 = tpu.memref_slice %arg5[%multiple_of3A_69] : memref<16007168xf32, #tpu.memory_space<hbm>> -> memref<15632xf32, #tpu.memory_space<hbm>>
    %dma_wait3A_197 = tpu.memref_slice %arg5[%multiple_of3A_69] : memref<16007168xf32, #tpu.memory_space<hbm>> -> memref<15632xf32, #tpu.memory_space<hbm>>
    tpu.wait_dma2 semaphore(%arg10 : memref<!tpu.dma_semaphore, #tpu.memory_space<semaphore_mem>>) src(%arg8 : memref<15632xf32, #tpu.memory_space<vmem>>) dst(%dma_wait3A_197 : memref<15632xf32, #tpu.memory_space<hbm>>)
    %dma_wait3A_198 = tpu.memref_slice %arg5[%multiple_of3A_74] : memref<16007168xf32, #tpu.memory_space<hbm>> -> memref<15632xf32, #tpu.memory_space<hbm>>
    %dma_wait3A_199 = tpu.memref_slice %arg5[%multiple_of3A_74] : memref<16007168xf32, #tpu.memory_space<hbm>> -> memref<15632xf32, #tpu.memory_space<hbm>>
    tpu.wait_dma2 semaphore(%arg10 : memref<!tpu.dma_semaphore, #tpu.memory_space<semaphore_mem>>) src(%arg8 : memref<15632xf32, #tpu.memory_space<vmem>>) dst(%dma_wait3A_199 : memref<15632xf32, #tpu.memory_space<hbm>>)
    %dma_wait3A_200 = tpu.memref_slice %arg5[%multiple_of3A_79] : memref<16007168xf32, #tpu.memory_space<hbm>> -> memref<15632xf32, #tpu.memory_space<hbm>>
    %dma_wait3A_201 = tpu.memref_slice %arg5[%multiple_of3A_79] : memref<16007168xf32, #tpu.memory_space<hbm>> -> memref<15632xf32, #tpu.memory_space<hbm>>
    tpu.wait_dma2 semaphore(%arg10 : memref<!tpu.dma_semaphore, #tpu.memory_space<semaphore_mem>>) src(%arg8 : memref<15632xf32, #tpu.memory_space<vmem>>) dst(%dma_wait3A_201 : memref<15632xf32, #tpu.memory_space<hbm>>)
    %dma_wait3A_202 = tpu.memref_slice %arg5[%multiple_of3A_84] : memref<16007168xf32, #tpu.memory_space<hbm>> -> memref<15632xf32, #tpu.memory_space<hbm>>
    %dma_wait3A_203 = tpu.memref_slice %arg5[%multiple_of3A_84] : memref<16007168xf32, #tpu.memory_space<hbm>> -> memref<15632xf32, #tpu.memory_space<hbm>>
    tpu.wait_dma2 semaphore(%arg10 : memref<!tpu.dma_semaphore, #tpu.memory_space<semaphore_mem>>) src(%arg8 : memref<15632xf32, #tpu.memory_space<vmem>>) dst(%dma_wait3A_203 : memref<15632xf32, #tpu.memory_space<hbm>>)
    %dma_wait3A_204 = tpu.memref_slice %arg5[%multiple_of3A_89] : memref<16007168xf32, #tpu.memory_space<hbm>> -> memref<15632xf32, #tpu.memory_space<hbm>>
    %dma_wait3A_205 = tpu.memref_slice %arg5[%multiple_of3A_89] : memref<16007168xf32, #tpu.memory_space<hbm>> -> memref<15632xf32, #tpu.memory_space<hbm>>
    tpu.wait_dma2 semaphore(%arg10 : memref<!tpu.dma_semaphore, #tpu.memory_space<semaphore_mem>>) src(%arg8 : memref<15632xf32, #tpu.memory_space<vmem>>) dst(%dma_wait3A_205 : memref<15632xf32, #tpu.memory_space<hbm>>)
    %dma_wait3A_206 = tpu.memref_slice %arg5[%multiple_of3A_94] : memref<16007168xf32, #tpu.memory_space<hbm>> -> memref<15632xf32, #tpu.memory_space<hbm>>
    %dma_wait3A_207 = tpu.memref_slice %arg5[%multiple_of3A_94] : memref<16007168xf32, #tpu.memory_space<hbm>> -> memref<15632xf32, #tpu.memory_space<hbm>>
    tpu.wait_dma2 semaphore(%arg10 : memref<!tpu.dma_semaphore, #tpu.memory_space<semaphore_mem>>) src(%arg8 : memref<15632xf32, #tpu.memory_space<vmem>>) dst(%dma_wait3A_207 : memref<15632xf32, #tpu.memory_space<hbm>>)
    %dma_wait3A_208 = tpu.memref_slice %arg5[%multiple_of3A_99] : memref<16007168xf32, #tpu.memory_space<hbm>> -> memref<15632xf32, #tpu.memory_space<hbm>>
    %dma_wait3A_209 = tpu.memref_slice %arg5[%multiple_of3A_99] : memref<16007168xf32, #tpu.memory_space<hbm>> -> memref<15632xf32, #tpu.memory_space<hbm>>
    tpu.wait_dma2 semaphore(%arg10 : memref<!tpu.dma_semaphore, #tpu.memory_space<semaphore_mem>>) src(%arg8 : memref<15632xf32, #tpu.memory_space<vmem>>) dst(%dma_wait3A_209 : memref<15632xf32, #tpu.memory_space<hbm>>)
    %dma_wait3A_210 = tpu.memref_slice %arg5[%multiple_of3A_104] : memref<16007168xf32, #tpu.memory_space<hbm>> -> memref<15632xf32, #tpu.memory_space<hbm>>
    %dma_wait3A_211 = tpu.memref_slice %arg5[%multiple_of3A_104] : memref<16007168xf32, #tpu.memory_space<hbm>> -> memref<15632xf32, #tpu.memory_space<hbm>>
    tpu.wait_dma2 semaphore(%arg10 : memref<!tpu.dma_semaphore, #tpu.memory_space<semaphore_mem>>) src(%arg8 : memref<15632xf32, #tpu.memory_space<vmem>>) dst(%dma_wait3A_211 : memref<15632xf32, #tpu.memory_space<hbm>>)
    %dma_wait3A_212 = tpu.memref_slice %arg5[%multiple_of3A_109] : memref<16007168xf32, #tpu.memory_space<hbm>> -> memref<15632xf32, #tpu.memory_space<hbm>>
    %dma_wait3A_213 = tpu.memref_slice %arg5[%multiple_of3A_109] : memref<16007168xf32, #tpu.memory_space<hbm>> -> memref<15632xf32, #tpu.memory_space<hbm>>
    tpu.wait_dma2 semaphore(%arg10 : memref<!tpu.dma_semaphore, #tpu.memory_space<semaphore_mem>>) src(%arg8 : memref<15632xf32, #tpu.memory_space<vmem>>) dst(%dma_wait3A_213 : memref<15632xf32, #tpu.memory_space<hbm>>)
    %dma_wait3A_214 = tpu.memref_slice %arg5[%multiple_of3A_114] : memref<16007168xf32, #tpu.memory_space<hbm>> -> memref<15632xf32, #tpu.memory_space<hbm>>
    %dma_wait3A_215 = tpu.memref_slice %arg5[%multiple_of3A_114] : memref<16007168xf32, #tpu.memory_space<hbm>> -> memref<15632xf32, #tpu.memory_space<hbm>>
    tpu.wait_dma2 semaphore(%arg10 : memref<!tpu.dma_semaphore, #tpu.memory_space<semaphore_mem>>) src(%arg8 : memref<15632xf32, #tpu.memory_space<vmem>>) dst(%dma_wait3A_215 : memref<15632xf32, #tpu.memory_space<hbm>>)
    %dma_wait3A_216 = tpu.memref_slice %arg5[%multiple_of3A_119] : memref<16007168xf32, #tpu.memory_space<hbm>> -> memref<15632xf32, #tpu.memory_space<hbm>>
    %dma_wait3A_217 = tpu.memref_slice %arg5[%multiple_of3A_119] : memref<16007168xf32, #tpu.memory_space<hbm>> -> memref<15632xf32, #tpu.memory_space<hbm>>
    tpu.wait_dma2 semaphore(%arg10 : memref<!tpu.dma_semaphore, #tpu.memory_space<semaphore_mem>>) src(%arg8 : memref<15632xf32, #tpu.memory_space<vmem>>) dst(%dma_wait3A_217 : memref<15632xf32, #tpu.memory_space<hbm>>)
    %dma_wait3A_218 = tpu.memref_slice %arg5[%multiple_of3A_124] : memref<16007168xf32, #tpu.memory_space<hbm>> -> memref<15632xf32, #tpu.memory_space<hbm>>
    %dma_wait3A_219 = tpu.memref_slice %arg5[%multiple_of3A_124] : memref<16007168xf32, #tpu.memory_space<hbm>> -> memref<15632xf32, #tpu.memory_space<hbm>>
    tpu.wait_dma2 semaphore(%arg10 : memref<!tpu.dma_semaphore, #tpu.memory_space<semaphore_mem>>) src(%arg8 : memref<15632xf32, #tpu.memory_space<vmem>>) dst(%dma_wait3A_219 : memref<15632xf32, #tpu.memory_space<hbm>>)
    %dma_wait3A_220 = tpu.memref_slice %arg5[%multiple_of3A_129] : memref<16007168xf32, #tpu.memory_space<hbm>> -> memref<15632xf32, #tpu.memory_space<hbm>>
    %dma_wait3A_221 = tpu.memref_slice %arg5[%multiple_of3A_129] : memref<16007168xf32, #tpu.memory_space<hbm>> -> memref<15632xf32, #tpu.memory_space<hbm>>
    tpu.wait_dma2 semaphore(%arg10 : memref<!tpu.dma_semaphore, #tpu.memory_space<semaphore_mem>>) src(%arg8 : memref<15632xf32, #tpu.memory_space<vmem>>) dst(%dma_wait3A_221 : memref<15632xf32, #tpu.memory_space<hbm>>)
    %dma_wait3A_222 = tpu.memref_slice %arg5[%multiple_of3A_134] : memref<16007168xf32, #tpu.memory_space<hbm>> -> memref<15632xf32, #tpu.memory_space<hbm>>
    %dma_wait3A_223 = tpu.memref_slice %arg5[%multiple_of3A_134] : memref<16007168xf32, #tpu.memory_space<hbm>> -> memref<15632xf32, #tpu.memory_space<hbm>>
    tpu.wait_dma2 semaphore(%arg10 : memref<!tpu.dma_semaphore, #tpu.memory_space<semaphore_mem>>) src(%arg8 : memref<15632xf32, #tpu.memory_space<vmem>>) dst(%dma_wait3A_223 : memref<15632xf32, #tpu.memory_space<hbm>>)
    %dma_wait3A_224 = tpu.memref_slice %arg5[%multiple_of3A_139] : memref<16007168xf32, #tpu.memory_space<hbm>> -> memref<15632xf32, #tpu.memory_space<hbm>>
    %dma_wait3A_225 = tpu.memref_slice %arg5[%multiple_of3A_139] : memref<16007168xf32, #tpu.memory_space<hbm>> -> memref<15632xf32, #tpu.memory_space<hbm>>
    tpu.wait_dma2 semaphore(%arg10 : memref<!tpu.dma_semaphore, #tpu.memory_space<semaphore_mem>>) src(%arg8 : memref<15632xf32, #tpu.memory_space<vmem>>) dst(%dma_wait3A_225 : memref<15632xf32, #tpu.memory_space<hbm>>)
    %dma_wait3A_226 = tpu.memref_slice %arg5[%multiple_of3A_144] : memref<16007168xf32, #tpu.memory_space<hbm>> -> memref<15632xf32, #tpu.memory_space<hbm>>
    %dma_wait3A_227 = tpu.memref_slice %arg5[%multiple_of3A_144] : memref<16007168xf32, #tpu.memory_space<hbm>> -> memref<15632xf32, #tpu.memory_space<hbm>>
    tpu.wait_dma2 semaphore(%arg10 : memref<!tpu.dma_semaphore, #tpu.memory_space<semaphore_mem>>) src(%arg8 : memref<15632xf32, #tpu.memory_space<vmem>>) dst(%dma_wait3A_227 : memref<15632xf32, #tpu.memory_space<hbm>>)
    %dma_wait3A_228 = tpu.memref_slice %arg5[%multiple_of3A_149] : memref<16007168xf32, #tpu.memory_space<hbm>> -> memref<15632xf32, #tpu.memory_space<hbm>>
    %dma_wait3A_229 = tpu.memref_slice %arg5[%multiple_of3A_149] : memref<16007168xf32, #tpu.memory_space<hbm>> -> memref<15632xf32, #tpu.memory_space<hbm>>
    tpu.wait_dma2 semaphore(%arg10 : memref<!tpu.dma_semaphore, #tpu.memory_space<semaphore_mem>>) src(%arg8 : memref<15632xf32, #tpu.memory_space<vmem>>) dst(%dma_wait3A_229 : memref<15632xf32, #tpu.memory_space<hbm>>)
    %dma_wait3A_230 = tpu.memref_slice %arg5[%multiple_of3A_154] : memref<16007168xf32, #tpu.memory_space<hbm>> -> memref<15632xf32, #tpu.memory_space<hbm>>
    %dma_wait3A_231 = tpu.memref_slice %arg5[%multiple_of3A_154] : memref<16007168xf32, #tpu.memory_space<hbm>> -> memref<15632xf32, #tpu.memory_space<hbm>>
    tpu.wait_dma2 semaphore(%arg10 : memref<!tpu.dma_semaphore, #tpu.memory_space<semaphore_mem>>) src(%arg8 : memref<15632xf32, #tpu.memory_space<vmem>>) dst(%dma_wait3A_231 : memref<15632xf32, #tpu.memory_space<hbm>>)
    %dma_wait3A_232 = tpu.memref_slice %arg5[%multiple_of3A_159] : memref<16007168xf32, #tpu.memory_space<hbm>> -> memref<15632xf32, #tpu.memory_space<hbm>>
    %dma_wait3A_233 = tpu.memref_slice %arg5[%multiple_of3A_159] : memref<16007168xf32, #tpu.memory_space<hbm>> -> memref<15632xf32, #tpu.memory_space<hbm>>
    tpu.wait_dma2 semaphore(%arg10 : memref<!tpu.dma_semaphore, #tpu.memory_space<semaphore_mem>>) src(%arg8 : memref<15632xf32, #tpu.memory_space<vmem>>) dst(%dma_wait3A_233 : memref<15632xf32, #tpu.memory_space<hbm>>)
    %dma_wait3A_234 = tpu.memref_slice %arg5[%multiple_of3A_164] : memref<16007168xf32, #tpu.memory_space<hbm>> -> memref<15632xf32, #tpu.memory_space<hbm>>
    %dma_wait3A_235 = tpu.memref_slice %arg5[%multiple_of3A_164] : memref<16007168xf32, #tpu.memory_space<hbm>> -> memref<15632xf32, #tpu.memory_space<hbm>>
    tpu.wait_dma2 semaphore(%arg10 : memref<!tpu.dma_semaphore, #tpu.memory_space<semaphore_mem>>) src(%arg8 : memref<15632xf32, #tpu.memory_space<vmem>>) dst(%dma_wait3A_235 : memref<15632xf32, #tpu.memory_space<hbm>>)
    %dma_wait3A_236 = tpu.memref_slice %arg5[%multiple_of3A_169] : memref<16007168xf32, #tpu.memory_space<hbm>> -> memref<15632xf32, #tpu.memory_space<hbm>>
    %dma_wait3A_237 = tpu.memref_slice %arg5[%multiple_of3A_169] : memref<16007168xf32, #tpu.memory_space<hbm>> -> memref<15632xf32, #tpu.memory_space<hbm>>
    tpu.wait_dma2 semaphore(%arg10 : memref<!tpu.dma_semaphore, #tpu.memory_space<semaphore_mem>>) src(%arg8 : memref<15632xf32, #tpu.memory_space<vmem>>) dst(%dma_wait3A_237 : memref<15632xf32, #tpu.memory_space<hbm>>)
    %dma_wait3A_238 = tpu.memref_slice %arg5[%multiple_of3A_174] : memref<16007168xf32, #tpu.memory_space<hbm>> -> memref<15632xf32, #tpu.memory_space<hbm>>
    %dma_wait3A_239 = tpu.memref_slice %arg5[%multiple_of3A_174] : memref<16007168xf32, #tpu.memory_space<hbm>> -> memref<15632xf32, #tpu.memory_space<hbm>>
    tpu.wait_dma2 semaphore(%arg10 : memref<!tpu.dma_semaphore, #tpu.memory_space<semaphore_mem>>) src(%arg8 : memref<15632xf32, #tpu.memory_space<vmem>>) dst(%dma_wait3A_239 : memref<15632xf32, #tpu.memory_space<hbm>>)
    %barrier3A = arith.constant 0 : index
    tpu.barrier barrier_id(%barrier3A)
    %dma_wait3A_240 = arith.constant 0 : i32
    %dma_wait3A_241 = arith.constant 0 : i32
    %dma_wait3A_242 = tpu.memref_slice %arg2[%add3A, %dma_wait3A_240, %dma_wait3A_241] : memref<32x8x128xi32, #tpu.memory_space<hbm>> -> memref<1x8x128xi32, #tpu.memory_space<hbm>>
    %dma_wait3A_243 = tpu.memref_squeeze %dma_wait3A_242 : memref<1x8x128xi32, #tpu.memory_space<hbm>> -> memref<8x128xi32, #tpu.memory_space<hbm>>
    %dma_wait3A_244 = arith.constant 0 : i32
    %dma_wait3A_245 = arith.constant 0 : i32
    %dma_wait3A_246 = tpu.memref_slice %arg2[%add3A, %dma_wait3A_244, %dma_wait3A_245] : memref<32x8x128xi32, #tpu.memory_space<hbm>> -> memref<1x8x128xi32, #tpu.memory_space<hbm>>
    %dma_wait3A_247 = tpu.memref_squeeze %dma_wait3A_246 : memref<1x8x128xi32, #tpu.memory_space<hbm>> -> memref<8x128xi32, #tpu.memory_space<hbm>>
    tpu.wait_dma2 semaphore(%arg9 : memref<!tpu.dma_semaphore, #tpu.memory_space<semaphore_mem>>) src(%dma_wait3A_247 : memref<8x128xi32, #tpu.memory_space<hbm>>) dst(%arg6 : memref<8x128xi32, #tpu.memory_space<vmem>>)
    %dma_wait3A_248 = arith.constant 0 : i32
    %dma_wait3A_249 = arith.constant 0 : i32
    %dma_wait3A_250 = tpu.memref_slice %arg3[%add3A, %dma_wait3A_248, %dma_wait3A_249] : memref<32x8x128xf32, #tpu.memory_space<hbm>> -> memref<1x8x128xf32, #tpu.memory_space<hbm>>
    %dma_wait3A_251 = tpu.memref_squeeze %dma_wait3A_250 : memref<1x8x128xf32, #tpu.memory_space<hbm>> -> memref<8x128xf32, #tpu.memory_space<hbm>>
    %dma_wait3A_252 = arith.constant 0 : i32
    %dma_wait3A_253 = arith.constant 0 : i32
    %dma_wait3A_254 = tpu.memref_slice %arg3[%add3A, %dma_wait3A_252, %dma_wait3A_253] : memref<32x8x128xf32, #tpu.memory_space<hbm>> -> memref<1x8x128xf32, #tpu.memory_space<hbm>>
    %dma_wait3A_255 = tpu.memref_squeeze %dma_wait3A_254 : memref<1x8x128xf32, #tpu.memory_space<hbm>> -> memref<8x128xf32, #tpu.memory_space<hbm>>
    tpu.wait_dma2 semaphore(%arg9 : memref<!tpu.dma_semaphore, #tpu.memory_space<semaphore_mem>>) src(%dma_wait3A_255 : memref<8x128xf32, #tpu.memory_space<hbm>>) dst(%arg7 : memref<8x128xf32, #tpu.memory_space<vmem>>)
    %dma_start3A_256 = arith.constant 0 : i32
    %dma_start3A_257 = arith.constant 0 : i32
    %dma_start3A_258 = arith.constant 0 : i32
    %dma_start3A_259 = tpu.memref_slice %arg7[%dma_start3A_256, %dma_start3A_258] : memref<8x128xf32, #tpu.memory_space<vmem>> -> memref<1x128xf32, #tpu.memory_space<vmem>>
    %dma_start3A_260 = tpu.memref_squeeze %dma_start3A_259 : memref<1x128xf32, #tpu.memory_space<vmem>> -> memref<128xf32, #tpu.memory_space<vmem>>
    %dma_start3A_261 = arith.constant 0 : i32
    %dma_start3A_262 = tpu.memref_slice %arg6[%dma_start3A_257, %dma_start3A_261] : memref<8x128xi32, #tpu.memory_space<vmem>> -> memref<1x128xi32, #tpu.memory_space<vmem>>
    %dma_start3A_263 = tpu.memref_squeeze %dma_start3A_262 : memref<1x128xi32, #tpu.memory_space<vmem>> -> memref<128xi32, #tpu.memory_space<vmem>>
    %dma_start3A_264 = arith.constant 0 : i32
    %dma_start3A_265 = tpu.memref_slice %arg5[%dma_start3A_264] : memref<16007168xf32, #tpu.memory_space<hbm>> -> memref<16007168xf32, #tpu.memory_space<hbm>>
    tpu.enqueue_indirect_dma source(%dma_start3A_260 : memref<128xf32, #tpu.memory_space<vmem>>) target(%dma_start3A_265 : memref<16007168xf32, #tpu.memory_space<hbm>>) offsets(%dma_start3A_263 : memref<128xi32, #tpu.memory_space<vmem>>) semaphore(%arg11 : memref<!tpu.dma_semaphore, #tpu.memory_space<semaphore_mem>>)
    %dma_start3A_266 = arith.constant 1 : i32
    %dma_start3A_267 = arith.constant 1 : i32
    %dma_start3A_268 = arith.constant 0 : i32
    %dma_start3A_269 = tpu.memref_slice %arg7[%dma_start3A_266, %dma_start3A_268] : memref<8x128xf32, #tpu.memory_space<vmem>> -> memref<1x128xf32, #tpu.memory_space<vmem>>
    %dma_start3A_270 = tpu.memref_squeeze %dma_start3A_269 : memref<1x128xf32, #tpu.memory_space<vmem>> -> memref<128xf32, #tpu.memory_space<vmem>>
    %dma_start3A_271 = arith.constant 0 : i32
    %dma_start3A_272 = tpu.memref_slice %arg6[%dma_start3A_267, %dma_start3A_271] : memref<8x128xi32, #tpu.memory_space<vmem>> -> memref<1x128xi32, #tpu.memory_space<vmem>>
    %dma_start3A_273 = tpu.memref_squeeze %dma_start3A_272 : memref<1x128xi32, #tpu.memory_space<vmem>> -> memref<128xi32, #tpu.memory_space<vmem>>
    %dma_start3A_274 = arith.constant 0 : i32
    %dma_start3A_275 = tpu.memref_slice %arg5[%dma_start3A_274] : memref<16007168xf32, #tpu.memory_space<hbm>> -> memref<16007168xf32, #tpu.memory_space<hbm>>
    tpu.enqueue_indirect_dma source(%dma_start3A_270 : memref<128xf32, #tpu.memory_space<vmem>>) target(%dma_start3A_275 : memref<16007168xf32, #tpu.memory_space<hbm>>) offsets(%dma_start3A_273 : memref<128xi32, #tpu.memory_space<vmem>>) semaphore(%arg11 : memref<!tpu.dma_semaphore, #tpu.memory_space<semaphore_mem>>)
    %dma_start3A_276 = arith.constant 2 : i32
    %dma_start3A_277 = arith.constant 2 : i32
    %dma_start3A_278 = arith.constant 0 : i32
    %dma_start3A_279 = tpu.memref_slice %arg7[%dma_start3A_276, %dma_start3A_278] : memref<8x128xf32, #tpu.memory_space<vmem>> -> memref<1x128xf32, #tpu.memory_space<vmem>>
    %dma_start3A_280 = tpu.memref_squeeze %dma_start3A_279 : memref<1x128xf32, #tpu.memory_space<vmem>> -> memref<128xf32, #tpu.memory_space<vmem>>
    %dma_start3A_281 = arith.constant 0 : i32
    %dma_start3A_282 = tpu.memref_slice %arg6[%dma_start3A_277, %dma_start3A_281] : memref<8x128xi32, #tpu.memory_space<vmem>> -> memref<1x128xi32, #tpu.memory_space<vmem>>
    %dma_start3A_283 = tpu.memref_squeeze %dma_start3A_282 : memref<1x128xi32, #tpu.memory_space<vmem>> -> memref<128xi32, #tpu.memory_space<vmem>>
    %dma_start3A_284 = arith.constant 0 : i32
    %dma_start3A_285 = tpu.memref_slice %arg5[%dma_start3A_284] : memref<16007168xf32, #tpu.memory_space<hbm>> -> memref<16007168xf32, #tpu.memory_space<hbm>>
    tpu.enqueue_indirect_dma source(%dma_start3A_280 : memref<128xf32, #tpu.memory_space<vmem>>) target(%dma_start3A_285 : memref<16007168xf32, #tpu.memory_space<hbm>>) offsets(%dma_start3A_283 : memref<128xi32, #tpu.memory_space<vmem>>) semaphore(%arg11 : memref<!tpu.dma_semaphore, #tpu.memory_space<semaphore_mem>>)
    %dma_start3A_286 = arith.constant 3 : i32
    %dma_start3A_287 = arith.constant 3 : i32
    %dma_start3A_288 = arith.constant 0 : i32
    %dma_start3A_289 = tpu.memref_slice %arg7[%dma_start3A_286, %dma_start3A_288] : memref<8x128xf32, #tpu.memory_space<vmem>> -> memref<1x128xf32, #tpu.memory_space<vmem>>
    %dma_start3A_290 = tpu.memref_squeeze %dma_start3A_289 : memref<1x128xf32, #tpu.memory_space<vmem>> -> memref<128xf32, #tpu.memory_space<vmem>>
    %dma_start3A_291 = arith.constant 0 : i32
    %dma_start3A_292 = tpu.memref_slice %arg6[%dma_start3A_287, %dma_start3A_291] : memref<8x128xi32, #tpu.memory_space<vmem>> -> memref<1x128xi32, #tpu.memory_space<vmem>>
    %dma_start3A_293 = tpu.memref_squeeze %dma_start3A_292 : memref<1x128xi32, #tpu.memory_space<vmem>> -> memref<128xi32, #tpu.memory_space<vmem>>
    %dma_start3A_294 = arith.constant 0 : i32
    %dma_start3A_295 = tpu.memref_slice %arg5[%dma_start3A_294] : memref<16007168xf32, #tpu.memory_space<hbm>> -> memref<16007168xf32, #tpu.memory_space<hbm>>
    tpu.enqueue_indirect_dma source(%dma_start3A_290 : memref<128xf32, #tpu.memory_space<vmem>>) target(%dma_start3A_295 : memref<16007168xf32, #tpu.memory_space<hbm>>) offsets(%dma_start3A_293 : memref<128xi32, #tpu.memory_space<vmem>>) semaphore(%arg11 : memref<!tpu.dma_semaphore, #tpu.memory_space<semaphore_mem>>)
    %dma_start3A_296 = arith.constant 4 : i32
    %dma_start3A_297 = arith.constant 4 : i32
    %dma_start3A_298 = arith.constant 0 : i32
    %dma_start3A_299 = tpu.memref_slice %arg7[%dma_start3A_296, %dma_start3A_298] : memref<8x128xf32, #tpu.memory_space<vmem>> -> memref<1x128xf32, #tpu.memory_space<vmem>>
    %dma_start3A_300 = tpu.memref_squeeze %dma_start3A_299 : memref<1x128xf32, #tpu.memory_space<vmem>> -> memref<128xf32, #tpu.memory_space<vmem>>
    %dma_start3A_301 = arith.constant 0 : i32
    %dma_start3A_302 = tpu.memref_slice %arg6[%dma_start3A_297, %dma_start3A_301] : memref<8x128xi32, #tpu.memory_space<vmem>> -> memref<1x128xi32, #tpu.memory_space<vmem>>
    %dma_start3A_303 = tpu.memref_squeeze %dma_start3A_302 : memref<1x128xi32, #tpu.memory_space<vmem>> -> memref<128xi32, #tpu.memory_space<vmem>>
    %dma_start3A_304 = arith.constant 0 : i32
    %dma_start3A_305 = tpu.memref_slice %arg5[%dma_start3A_304] : memref<16007168xf32, #tpu.memory_space<hbm>> -> memref<16007168xf32, #tpu.memory_space<hbm>>
    tpu.enqueue_indirect_dma source(%dma_start3A_300 : memref<128xf32, #tpu.memory_space<vmem>>) target(%dma_start3A_305 : memref<16007168xf32, #tpu.memory_space<hbm>>) offsets(%dma_start3A_303 : memref<128xi32, #tpu.memory_space<vmem>>) semaphore(%arg11 : memref<!tpu.dma_semaphore, #tpu.memory_space<semaphore_mem>>)
    %dma_start3A_306 = arith.constant 5 : i32
    %dma_start3A_307 = arith.constant 5 : i32
    %dma_start3A_308 = arith.constant 0 : i32
    %dma_start3A_309 = tpu.memref_slice %arg7[%dma_start3A_306, %dma_start3A_308] : memref<8x128xf32, #tpu.memory_space<vmem>> -> memref<1x128xf32, #tpu.memory_space<vmem>>
    %dma_start3A_310 = tpu.memref_squeeze %dma_start3A_309 : memref<1x128xf32, #tpu.memory_space<vmem>> -> memref<128xf32, #tpu.memory_space<vmem>>
    %dma_start3A_311 = arith.constant 0 : i32
    %dma_start3A_312 = tpu.memref_slice %arg6[%dma_start3A_307, %dma_start3A_311] : memref<8x128xi32, #tpu.memory_space<vmem>> -> memref<1x128xi32, #tpu.memory_space<vmem>>
    %dma_start3A_313 = tpu.memref_squeeze %dma_start3A_312 : memref<1x128xi32, #tpu.memory_space<vmem>> -> memref<128xi32, #tpu.memory_space<vmem>>
    %dma_start3A_314 = arith.constant 0 : i32
    %dma_start3A_315 = tpu.memref_slice %arg5[%dma_start3A_314] : memref<16007168xf32, #tpu.memory_space<hbm>> -> memref<16007168xf32, #tpu.memory_space<hbm>>
    tpu.enqueue_indirect_dma source(%dma_start3A_310 : memref<128xf32, #tpu.memory_space<vmem>>) target(%dma_start3A_315 : memref<16007168xf32, #tpu.memory_space<hbm>>) offsets(%dma_start3A_313 : memref<128xi32, #tpu.memory_space<vmem>>) semaphore(%arg11 : memref<!tpu.dma_semaphore, #tpu.memory_space<semaphore_mem>>)
    %dma_start3A_316 = arith.constant 6 : i32
    %dma_start3A_317 = arith.constant 6 : i32
    %dma_start3A_318 = arith.constant 0 : i32
    %dma_start3A_319 = tpu.memref_slice %arg7[%dma_start3A_316, %dma_start3A_318] : memref<8x128xf32, #tpu.memory_space<vmem>> -> memref<1x128xf32, #tpu.memory_space<vmem>>
    %dma_start3A_320 = tpu.memref_squeeze %dma_start3A_319 : memref<1x128xf32, #tpu.memory_space<vmem>> -> memref<128xf32, #tpu.memory_space<vmem>>
    %dma_start3A_321 = arith.constant 0 : i32
    %dma_start3A_322 = tpu.memref_slice %arg6[%dma_start3A_317, %dma_start3A_321] : memref<8x128xi32, #tpu.memory_space<vmem>> -> memref<1x128xi32, #tpu.memory_space<vmem>>
    %dma_start3A_323 = tpu.memref_squeeze %dma_start3A_322 : memref<1x128xi32, #tpu.memory_space<vmem>> -> memref<128xi32, #tpu.memory_space<vmem>>
    %dma_start3A_324 = arith.constant 0 : i32
    %dma_start3A_325 = tpu.memref_slice %arg5[%dma_start3A_324] : memref<16007168xf32, #tpu.memory_space<hbm>> -> memref<16007168xf32, #tpu.memory_space<hbm>>
    tpu.enqueue_indirect_dma source(%dma_start3A_320 : memref<128xf32, #tpu.memory_space<vmem>>) target(%dma_start3A_325 : memref<16007168xf32, #tpu.memory_space<hbm>>) offsets(%dma_start3A_323 : memref<128xi32, #tpu.memory_space<vmem>>) semaphore(%arg11 : memref<!tpu.dma_semaphore, #tpu.memory_space<semaphore_mem>>)
    %dma_start3A_326 = arith.constant 7 : i32
    %dma_start3A_327 = arith.constant 7 : i32
    %dma_start3A_328 = arith.constant 0 : i32
    %dma_start3A_329 = tpu.memref_slice %arg7[%dma_start3A_326, %dma_start3A_328] : memref<8x128xf32, #tpu.memory_space<vmem>> -> memref<1x128xf32, #tpu.memory_space<vmem>>
    %dma_start3A_330 = tpu.memref_squeeze %dma_start3A_329 : memref<1x128xf32, #tpu.memory_space<vmem>> -> memref<128xf32, #tpu.memory_space<vmem>>
    %dma_start3A_331 = arith.constant 0 : i32
    %dma_start3A_332 = tpu.memref_slice %arg6[%dma_start3A_327, %dma_start3A_331] : memref<8x128xi32, #tpu.memory_space<vmem>> -> memref<1x128xi32, #tpu.memory_space<vmem>>
    %dma_start3A_333 = tpu.memref_squeeze %dma_start3A_332 : memref<1x128xi32, #tpu.memory_space<vmem>> -> memref<128xi32, #tpu.memory_space<vmem>>
    %dma_start3A_334 = arith.constant 0 : i32
    %dma_start3A_335 = tpu.memref_slice %arg5[%dma_start3A_334] : memref<16007168xf32, #tpu.memory_space<hbm>> -> memref<16007168xf32, #tpu.memory_space<hbm>>
    tpu.enqueue_indirect_dma source(%dma_start3A_330 : memref<128xf32, #tpu.memory_space<vmem>>) target(%dma_start3A_335 : memref<16007168xf32, #tpu.memory_space<hbm>>) offsets(%dma_start3A_333 : memref<128xi32, #tpu.memory_space<vmem>>) semaphore(%arg11 : memref<!tpu.dma_semaphore, #tpu.memory_space<semaphore_mem>>)
    %dma_wait3A_336 = arith.constant 0 : i32
    %dma_wait3A_337 = arith.constant 0 : i32
    %dma_wait3A_338 = arith.constant 0 : i32
    %dma_wait3A_339 = tpu.memref_slice %arg7[%dma_wait3A_336, %dma_wait3A_338] : memref<8x128xf32, #tpu.memory_space<vmem>> -> memref<1x128xf32, #tpu.memory_space<vmem>>
    %dma_wait3A_340 = tpu.memref_squeeze %dma_wait3A_339 : memref<1x128xf32, #tpu.memory_space<vmem>> -> memref<128xf32, #tpu.memory_space<vmem>>
    %dma_wait3A_341 = arith.constant 0 : i32
    %dma_wait3A_342 = tpu.memref_slice %arg6[%dma_wait3A_337, %dma_wait3A_341] : memref<8x128xi32, #tpu.memory_space<vmem>> -> memref<1x128xi32, #tpu.memory_space<vmem>>
    %dma_wait3A_343 = tpu.memref_squeeze %dma_wait3A_342 : memref<1x128xi32, #tpu.memory_space<vmem>> -> memref<128xi32, #tpu.memory_space<vmem>>
    %dma_wait3A_344 = arith.constant 0 : i32
    %dma_wait3A_345 = tpu.memref_slice %arg5[%dma_wait3A_344] : memref<16007168xf32, #tpu.memory_space<hbm>> -> memref<16007168xf32, #tpu.memory_space<hbm>>
    tpu.wait_indirect_dma semaphore(%arg11 : memref<!tpu.dma_semaphore, #tpu.memory_space<semaphore_mem>>) src(%dma_wait3A_340 : memref<128xf32, #tpu.memory_space<vmem>>) dst(%dma_wait3A_345 : memref<16007168xf32, #tpu.memory_space<hbm>>)
    %dma_wait3A_346 = arith.constant 1 : i32
    %dma_wait3A_347 = arith.constant 1 : i32
    %dma_wait3A_348 = arith.constant 0 : i32
    %dma_wait3A_349 = tpu.memref_slice %arg7[%dma_wait3A_346, %dma_wait3A_348] : memref<8x128xf32, #tpu.memory_space<vmem>> -> memref<1x128xf32, #tpu.memory_space<vmem>>
    %dma_wait3A_350 = tpu.memref_squeeze %dma_wait3A_349 : memref<1x128xf32, #tpu.memory_space<vmem>> -> memref<128xf32, #tpu.memory_space<vmem>>
    %dma_wait3A_351 = arith.constant 0 : i32
    %dma_wait3A_352 = tpu.memref_slice %arg6[%dma_wait3A_347, %dma_wait3A_351] : memref<8x128xi32, #tpu.memory_space<vmem>> -> memref<1x128xi32, #tpu.memory_space<vmem>>
    %dma_wait3A_353 = tpu.memref_squeeze %dma_wait3A_352 : memref<1x128xi32, #tpu.memory_space<vmem>> -> memref<128xi32, #tpu.memory_space<vmem>>
    %dma_wait3A_354 = arith.constant 0 : i32
    %dma_wait3A_355 = tpu.memref_slice %arg5[%dma_wait3A_354] : memref<16007168xf32, #tpu.memory_space<hbm>> -> memref<16007168xf32, #tpu.memory_space<hbm>>
    tpu.wait_indirect_dma semaphore(%arg11 : memref<!tpu.dma_semaphore, #tpu.memory_space<semaphore_mem>>) src(%dma_wait3A_350 : memref<128xf32, #tpu.memory_space<vmem>>) dst(%dma_wait3A_355 : memref<16007168xf32, #tpu.memory_space<hbm>>)
    %dma_wait3A_356 = arith.constant 2 : i32
    %dma_wait3A_357 = arith.constant 2 : i32
    %dma_wait3A_358 = arith.constant 0 : i32
    %dma_wait3A_359 = tpu.memref_slice %arg7[%dma_wait3A_356, %dma_wait3A_358] : memref<8x128xf32, #tpu.memory_space<vmem>> -> memref<1x128xf32, #tpu.memory_space<vmem>>
    %dma_wait3A_360 = tpu.memref_squeeze %dma_wait3A_359 : memref<1x128xf32, #tpu.memory_space<vmem>> -> memref<128xf32, #tpu.memory_space<vmem>>
    %dma_wait3A_361 = arith.constant 0 : i32
    %dma_wait3A_362 = tpu.memref_slice %arg6[%dma_wait3A_357, %dma_wait3A_361] : memref<8x128xi32, #tpu.memory_space<vmem>> -> memref<1x128xi32, #tpu.memory_space<vmem>>
    %dma_wait3A_363 = tpu.memref_squeeze %dma_wait3A_362 : memref<1x128xi32, #tpu.memory_space<vmem>> -> memref<128xi32, #tpu.memory_space<vmem>>
    %dma_wait3A_364 = arith.constant 0 : i32
    %dma_wait3A_365 = tpu.memref_slice %arg5[%dma_wait3A_364] : memref<16007168xf32, #tpu.memory_space<hbm>> -> memref<16007168xf32, #tpu.memory_space<hbm>>
    tpu.wait_indirect_dma semaphore(%arg11 : memref<!tpu.dma_semaphore, #tpu.memory_space<semaphore_mem>>) src(%dma_wait3A_360 : memref<128xf32, #tpu.memory_space<vmem>>) dst(%dma_wait3A_365 : memref<16007168xf32, #tpu.memory_space<hbm>>)
    %dma_wait3A_366 = arith.constant 3 : i32
    %dma_wait3A_367 = arith.constant 3 : i32
    %dma_wait3A_368 = arith.constant 0 : i32
    %dma_wait3A_369 = tpu.memref_slice %arg7[%dma_wait3A_366, %dma_wait3A_368] : memref<8x128xf32, #tpu.memory_space<vmem>> -> memref<1x128xf32, #tpu.memory_space<vmem>>
    %dma_wait3A_370 = tpu.memref_squeeze %dma_wait3A_369 : memref<1x128xf32, #tpu.memory_space<vmem>> -> memref<128xf32, #tpu.memory_space<vmem>>
    %dma_wait3A_371 = arith.constant 0 : i32
    %dma_wait3A_372 = tpu.memref_slice %arg6[%dma_wait3A_367, %dma_wait3A_371] : memref<8x128xi32, #tpu.memory_space<vmem>> -> memref<1x128xi32, #tpu.memory_space<vmem>>
    %dma_wait3A_373 = tpu.memref_squeeze %dma_wait3A_372 : memref<1x128xi32, #tpu.memory_space<vmem>> -> memref<128xi32, #tpu.memory_space<vmem>>
    %dma_wait3A_374 = arith.constant 0 : i32
    %dma_wait3A_375 = tpu.memref_slice %arg5[%dma_wait3A_374] : memref<16007168xf32, #tpu.memory_space<hbm>> -> memref<16007168xf32, #tpu.memory_space<hbm>>
    tpu.wait_indirect_dma semaphore(%arg11 : memref<!tpu.dma_semaphore, #tpu.memory_space<semaphore_mem>>) src(%dma_wait3A_370 : memref<128xf32, #tpu.memory_space<vmem>>) dst(%dma_wait3A_375 : memref<16007168xf32, #tpu.memory_space<hbm>>)
    %dma_wait3A_376 = arith.constant 4 : i32
    %dma_wait3A_377 = arith.constant 4 : i32
    %dma_wait3A_378 = arith.constant 0 : i32
    %dma_wait3A_379 = tpu.memref_slice %arg7[%dma_wait3A_376, %dma_wait3A_378] : memref<8x128xf32, #tpu.memory_space<vmem>> -> memref<1x128xf32, #tpu.memory_space<vmem>>
    %dma_wait3A_380 = tpu.memref_squeeze %dma_wait3A_379 : memref<1x128xf32, #tpu.memory_space<vmem>> -> memref<128xf32, #tpu.memory_space<vmem>>
    %dma_wait3A_381 = arith.constant 0 : i32
    %dma_wait3A_382 = tpu.memref_slice %arg6[%dma_wait3A_377, %dma_wait3A_381] : memref<8x128xi32, #tpu.memory_space<vmem>> -> memref<1x128xi32, #tpu.memory_space<vmem>>
    %dma_wait3A_383 = tpu.memref_squeeze %dma_wait3A_382 : memref<1x128xi32, #tpu.memory_space<vmem>> -> memref<128xi32, #tpu.memory_space<vmem>>
    %dma_wait3A_384 = arith.constant 0 : i32
    %dma_wait3A_385 = tpu.memref_slice %arg5[%dma_wait3A_384] : memref<16007168xf32, #tpu.memory_space<hbm>> -> memref<16007168xf32, #tpu.memory_space<hbm>>
    tpu.wait_indirect_dma semaphore(%arg11 : memref<!tpu.dma_semaphore, #tpu.memory_space<semaphore_mem>>) src(%dma_wait3A_380 : memref<128xf32, #tpu.memory_space<vmem>>) dst(%dma_wait3A_385 : memref<16007168xf32, #tpu.memory_space<hbm>>)
    %dma_wait3A_386 = arith.constant 5 : i32
    %dma_wait3A_387 = arith.constant 5 : i32
    %dma_wait3A_388 = arith.constant 0 : i32
    %dma_wait3A_389 = tpu.memref_slice %arg7[%dma_wait3A_386, %dma_wait3A_388] : memref<8x128xf32, #tpu.memory_space<vmem>> -> memref<1x128xf32, #tpu.memory_space<vmem>>
    %dma_wait3A_390 = tpu.memref_squeeze %dma_wait3A_389 : memref<1x128xf32, #tpu.memory_space<vmem>> -> memref<128xf32, #tpu.memory_space<vmem>>
    %dma_wait3A_391 = arith.constant 0 : i32
    %dma_wait3A_392 = tpu.memref_slice %arg6[%dma_wait3A_387, %dma_wait3A_391] : memref<8x128xi32, #tpu.memory_space<vmem>> -> memref<1x128xi32, #tpu.memory_space<vmem>>
    %dma_wait3A_393 = tpu.memref_squeeze %dma_wait3A_392 : memref<1x128xi32, #tpu.memory_space<vmem>> -> memref<128xi32, #tpu.memory_space<vmem>>
    %dma_wait3A_394 = arith.constant 0 : i32
    %dma_wait3A_395 = tpu.memref_slice %arg5[%dma_wait3A_394] : memref<16007168xf32, #tpu.memory_space<hbm>> -> memref<16007168xf32, #tpu.memory_space<hbm>>
    tpu.wait_indirect_dma semaphore(%arg11 : memref<!tpu.dma_semaphore, #tpu.memory_space<semaphore_mem>>) src(%dma_wait3A_390 : memref<128xf32, #tpu.memory_space<vmem>>) dst(%dma_wait3A_395 : memref<16007168xf32, #tpu.memory_space<hbm>>)
    %dma_wait3A_396 = arith.constant 6 : i32
    %dma_wait3A_397 = arith.constant 6 : i32
    %dma_wait3A_398 = arith.constant 0 : i32
    %dma_wait3A_399 = tpu.memref_slice %arg7[%dma_wait3A_396, %dma_wait3A_398] : memref<8x128xf32, #tpu.memory_space<vmem>> -> memref<1x128xf32, #tpu.memory_space<vmem>>
    %dma_wait3A_400 = tpu.memref_squeeze %dma_wait3A_399 : memref<1x128xf32, #tpu.memory_space<vmem>> -> memref<128xf32, #tpu.memory_space<vmem>>
    %dma_wait3A_401 = arith.constant 0 : i32
    %dma_wait3A_402 = tpu.memref_slice %arg6[%dma_wait3A_397, %dma_wait3A_401] : memref<8x128xi32, #tpu.memory_space<vmem>> -> memref<1x128xi32, #tpu.memory_space<vmem>>
    %dma_wait3A_403 = tpu.memref_squeeze %dma_wait3A_402 : memref<1x128xi32, #tpu.memory_space<vmem>> -> memref<128xi32, #tpu.memory_space<vmem>>
    %dma_wait3A_404 = arith.constant 0 : i32
    %dma_wait3A_405 = tpu.memref_slice %arg5[%dma_wait3A_404] : memref<16007168xf32, #tpu.memory_space<hbm>> -> memref<16007168xf32, #tpu.memory_space<hbm>>
    tpu.wait_indirect_dma semaphore(%arg11 : memref<!tpu.dma_semaphore, #tpu.memory_space<semaphore_mem>>) src(%dma_wait3A_400 : memref<128xf32, #tpu.memory_space<vmem>>) dst(%dma_wait3A_405 : memref<16007168xf32, #tpu.memory_space<hbm>>)
    %dma_wait3A_406 = arith.constant 7 : i32
    %dma_wait3A_407 = arith.constant 7 : i32
    %dma_wait3A_408 = arith.constant 0 : i32
    %dma_wait3A_409 = tpu.memref_slice %arg7[%dma_wait3A_406, %dma_wait3A_408] : memref<8x128xf32, #tpu.memory_space<vmem>> -> memref<1x128xf32, #tpu.memory_space<vmem>>
    %dma_wait3A_410 = tpu.memref_squeeze %dma_wait3A_409 : memref<1x128xf32, #tpu.memory_space<vmem>> -> memref<128xf32, #tpu.memory_space<vmem>>
    %dma_wait3A_411 = arith.constant 0 : i32
    %dma_wait3A_412 = tpu.memref_slice %arg6[%dma_wait3A_407, %dma_wait3A_411] : memref<8x128xi32, #tpu.memory_space<vmem>> -> memref<1x128xi32, #tpu.memory_space<vmem>>
    %dma_wait3A_413 = tpu.memref_squeeze %dma_wait3A_412 : memref<1x128xi32, #tpu.memory_space<vmem>> -> memref<128xi32, #tpu.memory_space<vmem>>
    %dma_wait3A_414 = arith.constant 0 : i32
    %dma_wait3A_415 = tpu.memref_slice %arg5[%dma_wait3A_414] : memref<16007168xf32, #tpu.memory_space<hbm>> -> memref<16007168xf32, #tpu.memory_space<hbm>>
    tpu.wait_indirect_dma semaphore(%arg11 : memref<!tpu.dma_semaphore, #tpu.memory_space<semaphore_mem>>) src(%dma_wait3A_410 : memref<128xf32, #tpu.memory_space<vmem>>) dst(%dma_wait3A_415 : memref<16007168xf32, #tpu.memory_space<hbm>>)
    return
  }
}

module attributes {stable_mosaic.version = 14 : i64} {
  func.func @_tc_body(%arg0: i32, %arg1: memref<4x512x512xf32, #tpu.memory_space<vmem>>, %arg2: memref<4x512x512xf32, #tpu.memory_space<vmem>>, %arg3: memref<1x1024xf32, #tpu.memory_space<vmem>>, %arg4: memref<1x1xf32, #tpu.memory_space<vmem>>, %arg5: memref<1x1x512xi32, #tpu.memory_space<vmem>>, %arg6: memref<1x1x512xi32, #tpu.memory_space<vmem>>, %arg7: memref<1x1x512xi32, #tpu.memory_space<vmem>>, %arg8: memref<1x1x512xi32, #tpu.memory_space<vmem>>, %arg9: memref<2x8x128xf32, #tpu.memory_space<vmem>>, %arg10: memref<2x8x128xi32, #tpu.memory_space<vmem>>) attributes {dimension_semantics = [#tpu.dimension_semantics<arbitrary>], iteration_bounds = array<i64: 16>, scalar_prefetch = 0 : i64, scratch_operands = 0 : i64, tpu.core_type = #tpu.core_type<tc>, window_params = [{transform_indices = @transform_0, window_bounds = array<i64: 4, 512, 512>}, {transform_indices = @transform_1, window_bounds = array<i64: 4, 512, 512>}, {pipeline_mode = #tpu.pipeline_mode<synchronous>, transform_indices = @transform_2, window_bounds = array<i64: 1, 1024>}, {pipeline_mode = #tpu.pipeline_mode<synchronous>, transform_indices = @transform_3, window_bounds = array<i64: 1, 1>}, {transform_indices = @transform_4, window_bounds = array<i64: 1, 1, 512>}, {transform_indices = @transform_5, window_bounds = array<i64: 1, 1, 512>}, {transform_indices = @transform_6, window_bounds = array<i64: 1, 1, 512>}, {transform_indices = @transform_7, window_bounds = array<i64: 1, 1, 512>}, {transform_indices = @transform_8, window_bounds = array<i64: 2, 8, 128>}, {transform_indices = @transform_9, window_bounds = array<i64: 2, 8, 128>}]} {
    %get3A = arith.constant 0 : index
    %get3A_0 = arith.constant 0 : index
    %get3A_1 = vector.load %arg3[%get3A, %get3A_0] : memref<1x1024xf32, #tpu.memory_space<vmem>>, vector<1x512xf32>
    %get3A_2 = arith.constant 0 : index
    %get3A_3 = arith.constant 512 : index
    %get3A_4 = vector.load %arg3[%get3A_2, %get3A_3] : memref<1x1024xf32, #tpu.memory_space<vmem>>, vector<1x512xf32>
    %get3A_5 = arith.constant 0 : index
    %get3A_6 = arith.constant 0 : index
    %get3A_7 = vector.load %arg4[%get3A_5, %get3A_6] : memref<1x1xf32, #tpu.memory_space<vmem>>, vector<1x1xf32>
    %get3A_8 = vector.extract %get3A_7[0, 0] : f32 from vector<1x1xf32>
    %get3A_9 = arith.constant 0 : index
    %get3A_10 = arith.constant 0 : index
    %get3A_11 = arith.constant 0 : index
    %get3A_12 = vector.load %arg1[%get3A_9, %get3A_10, %get3A_11] : memref<4x512x512xf32, #tpu.memory_space<vmem>>, vector<1x512x512xf32>
    %get3A_13 = vector.shape_cast %get3A_12 : vector<1x512x512xf32> to vector<512x512xf32>
    %get3A_14 = arith.constant 0 : index
    %get3A_15 = arith.constant 0 : index
    %get3A_16 = arith.constant 0 : index
    %get3A_17 = vector.load %arg2[%get3A_14, %get3A_15, %get3A_16] : memref<4x512x512xf32, #tpu.memory_space<vmem>>, vector<1x512x512xf32>
    %get3A_18 = vector.shape_cast %get3A_17 : vector<1x512x512xf32> to vector<512x512xf32>
    %get3A_19 = arith.constant 0 : index
    %get3A_20 = arith.constant 0 : index
    %get3A_21 = arith.constant 0 : index
    %get3A_22 = vector.load %arg5[%get3A_19, %get3A_20, %get3A_21] : memref<1x1x512xi32, #tpu.memory_space<vmem>>, vector<1x1x512xi32>
    %get3A_23 = vector.shape_cast %get3A_22 : vector<1x1x512xi32> to vector<1x512xi32>
    %mul3A = vector.broadcast %get3A_1 : vector<1x512xf32> to vector<512x512xf32>
    %mul3A_24 = arith.mulf %get3A_13, %mul3A : vector<512x512xf32>
    %reduce_sum3A = arith.constant dense<0.000000e+00> : vector<512xf32>
    %reduce_sum3A_25 = vector.multi_reduction <add>, %mul3A_24, %reduce_sum3A [1] : vector<512x512xf32> to vector<512xf32>
    %broadcast_in_dim3A = vector.shape_cast %reduce_sum3A_25 : vector<512xf32> to vector<512x1xf32>
    %mul3A_26 = vector.broadcast %get3A_4 : vector<1x512xf32> to vector<512x512xf32>
    %mul3A_27 = arith.mulf %get3A_18, %mul3A_26 : vector<512x512xf32>
    %reduce_sum3A_28 = arith.constant dense<0.000000e+00> : vector<512xf32>
    %reduce_sum3A_29 = vector.multi_reduction <add>, %mul3A_27, %reduce_sum3A_28 [1] : vector<512x512xf32> to vector<512xf32>
    %broadcast_in_dim3A_30 = vector.shape_cast %reduce_sum3A_29 : vector<512xf32> to vector<512x1xf32>
    %add3A = arith.addf %broadcast_in_dim3A, %broadcast_in_dim3A_30 : vector<512x1xf32>
    %add3A_31 = vector.broadcast %get3A_8 : f32 to vector<512x1xf32>
    %add3A_32 = arith.addf %add3A, %add3A_31 : vector<512x1xf32>
    %transpose3A = tpu.transpose %get3A_23, [1, 0] : vector<1x512xi32> -> vector<512x1xi32>
    %eq3A = vector.broadcast %transpose3A : vector<512x1xi32> to vector<512x512xi32>
    %eq3A_33 = vector.broadcast %get3A_23 : vector<1x512xi32> to vector<512x512xi32>
    %eq3A_34 = arith.cmpi eq, %eq3A, %eq3A_33 : vector<512x512xi32>
    %jit3A = arith.constant 0xFF800000 : f32
    %broadcast_in_dim3A_35 = vector.shape_cast %add3A_32 : vector<512x1xf32> to vector<512x1xf32>
    %broadcast_in_dim3A_36 = vector.broadcast %broadcast_in_dim3A_35 : vector<512x1xf32> to vector<512x512xf32>
    %broadcast_in_dim3A_37 = vector.broadcast %jit3A : f32 to vector<512x512xf32>
    %select_n3A = arith.select %eq3A_34, %broadcast_in_dim3A_36, %broadcast_in_dim3A_37 : vector<512x512xi1>, vector<512x512xf32>
    %reduce_max3A = arith.constant dense<0xFF800000> : vector<512xf32>
    %reduce_max3A_38 = vector.multi_reduction <maximumf>, %select_n3A, %reduce_max3A [0] : vector<512x512xf32> to vector<512xf32>
    %broadcast_in_dim3A_39 = vector.shape_cast %reduce_max3A_38 : vector<512xf32> to vector<1x512xf32>
    %lt3A = arith.constant 4 : i32
    %lt3A_40 = vector.broadcast %lt3A : i32 to vector<1x512xi32>
    %lt3A_41 = arith.cmpi slt, %get3A_23, %lt3A_40 : vector<1x512xi32>
    %jit3A_42 = arith.constant 0.000000e+00 : f32
    %broadcast_in_dim3A_43 = vector.broadcast %jit3A_42 : f32 to vector<1x512xf32>
    %select_n3A_44 = arith.select %lt3A_41, %broadcast_in_dim3A_43, %broadcast_in_dim3A_39 : vector<1x512xi1>, vector<1x512xf32>
    %mul3A_45 = arith.constant 4 : i32
    %mul3A_46 = arith.muli %mul3A_45, %arg0 : i32
    %add3A_47 = arith.constant 0 : i32
    %add3A_48 = arith.addi %mul3A_46, %add3A_47 : i32
    %jit3A_49 = arith.constant 8 : i32
    %div3A = arith.divsi %add3A_48, %jit3A_49 : i32
    %sign3A = arith.constant 0 : i32
    %sign3A_50 = arith.cmpi sgt, %add3A_48, %sign3A : i32
    %sign3A_51 = arith.extui %sign3A_50 : i1 to i32
    %sign3A_52 = arith.constant 0 : i32
    %sign3A_53 = arith.cmpi slt, %add3A_48, %sign3A_52 : i32
    %sign3A_54 = arith.extui %sign3A_53 : i1 to i32
    %sign3A_55 = arith.subi %sign3A_51, %sign3A_54 : i32
    %sign3A_56 = arith.constant 0 : i32
    %sign3A_57 = arith.cmpi sgt, %jit3A_49, %sign3A_56 : i32
    %sign3A_58 = arith.extui %sign3A_57 : i1 to i32
    %sign3A_59 = arith.constant 0 : i32
    %sign3A_60 = arith.cmpi slt, %jit3A_49, %sign3A_59 : i32
    %sign3A_61 = arith.extui %sign3A_60 : i1 to i32
    %sign3A_62 = arith.subi %sign3A_58, %sign3A_61 : i32
    %ne3A = arith.cmpi ne, %sign3A_55, %sign3A_62 : i32
    %rem3A = arith.remsi %add3A_48, %jit3A_49 : i32
    %ne3A_63 = arith.constant 0 : i32
    %ne3A_64 = arith.cmpi ne, %rem3A, %ne3A_63 : i32
    %and3A = arith.andi %ne3A, %ne3A_64 : i1
    %sub3A = arith.constant 1 : i32
    %sub3A_65 = arith.subi %div3A, %sub3A : i32
    %select_n3A_66 = arith.select %and3A, %sub3A_65, %div3A : i32
    %mul3A_67 = arith.constant 1954 : i32
    %mul3A_68 = arith.muli %select_n3A_66, %mul3A_67 : i32
    %shift_right_arithmetic3A = arith.constant 7 : i32
    %shift_right_arithmetic3A_69 = vector.broadcast %shift_right_arithmetic3A : i32 to vector<1x512xi32>
    %shift_right_arithmetic3A_70 = arith.shrsi %get3A_23, %shift_right_arithmetic3A_69 : vector<1x512xi32>
    %add3A_71 = vector.broadcast %mul3A_68 : i32 to vector<1x512xi32>
    %add3A_72 = arith.addi %add3A_71, %shift_right_arithmetic3A_70 : vector<1x512xi32>
    %mul3A_73 = arith.constant 1024 : i32
    %mul3A_74 = vector.broadcast %mul3A_73 : i32 to vector<1x512xi32>
    %mul3A_75 = arith.muli %add3A_72, %mul3A_74 : vector<1x512xi32>
    %jit3A_76 = arith.constant 8 : i32
    %eq3A_77 = arith.constant 0 : i32
    %eq3A_78 = arith.cmpi eq, %jit3A_76, %eq3A_77 : i32
    %jit3A_79 = arith.constant 1 : i32
    %select_n3A_80 = arith.select %eq3A_78, %jit3A_79, %jit3A_76 : i32
    %rem3A_81 = arith.remsi %add3A_48, %select_n3A_80 : i32
    %ne3A_82 = arith.constant 0 : i32
    %ne3A_83 = arith.cmpi ne, %rem3A_81, %ne3A_82 : i32
    %lt3A_84 = arith.constant 0 : i32
    %lt3A_85 = arith.cmpi slt, %rem3A_81, %lt3A_84 : i32
    %lt3A_86 = arith.constant 0 : i32
    %lt3A_87 = arith.cmpi slt, %select_n3A_80, %lt3A_86 : i32
    %ne3A_88 = arith.xori %lt3A_85, %lt3A_87 : i1
    %and3A_89 = arith.andi %ne3A_88, %ne3A_83 : i1
    %add3A_90 = arith.addi %rem3A_81, %select_n3A_80 : i32
    %select_n3A_91 = arith.select %and3A_89, %add3A_90, %rem3A_81 : i32
    %mul3A_92 = arith.constant 128 : i32
    %mul3A_93 = arith.muli %select_n3A_91, %mul3A_92 : i32
    %add3A_94 = vector.broadcast %mul3A_93 : i32 to vector<1x512xi32>
    %add3A_95 = arith.addi %mul3A_75, %add3A_94 : vector<1x512xi32>
    %and3A_96 = arith.constant 127 : i32
    %and3A_97 = vector.broadcast %and3A_96 : i32 to vector<1x512xi32>
    %and3A_98 = arith.andi %get3A_23, %and3A_97 : vector<1x512xi32>
    %add3A_99 = arith.addi %add3A_95, %and3A_98 : vector<1x512xi32>
    %reshape3A = vector.shape_cast %select_n3A_44 : vector<1x512xf32> to vector<4x128xf32>
    %swap3A = arith.constant 0 : index
    %swap3A_100 = arith.constant 0 : index
    %swap3A_101 = arith.constant 0 : index
    %swap3A_102 = vector.load %arg9[%swap3A, %swap3A_100, %swap3A_101] : memref<2x8x128xf32, #tpu.memory_space<vmem>>, vector<1x4x128xf32>
    %swap3A_103 = vector.shape_cast %swap3A_102 : vector<1x4x128xf32> to vector<4x128xf32>
    %swap3A_104 = vector.shape_cast %reshape3A : vector<4x128xf32> to vector<1x4x128xf32>
    tpu.vector_store %arg9[%swap3A, %swap3A_100, %swap3A_101], %swap3A_104 {strides = array<i32>} : memref<2x8x128xf32, #tpu.memory_space<vmem>>, vector<1x4x128xf32>,
    %reshape3A_105 = vector.shape_cast %add3A_99 : vector<1x512xi32> to vector<4x128xi32>
    %swap3A_106 = arith.constant 0 : index
    %swap3A_107 = arith.constant 0 : index
    %swap3A_108 = arith.constant 0 : index
    %swap3A_109 = vector.load %arg10[%swap3A_106, %swap3A_107, %swap3A_108] : memref<2x8x128xi32, #tpu.memory_space<vmem>>, vector<1x4x128xi32>
    %swap3A_110 = vector.shape_cast %swap3A_109 : vector<1x4x128xi32> to vector<4x128xi32>
    %swap3A_111 = vector.shape_cast %reshape3A_105 : vector<4x128xi32> to vector<1x4x128xi32>
    tpu.vector_store %arg10[%swap3A_106, %swap3A_107, %swap3A_108], %swap3A_111 {strides = array<i32>} : memref<2x8x128xi32, #tpu.memory_space<vmem>>, vector<1x4x128xi32>,
    %get3A_112 = arith.constant 1 : index
    %get3A_113 = arith.constant 0 : index
    %get3A_114 = arith.constant 0 : index
    %get3A_115 = vector.load %arg1[%get3A_112, %get3A_113, %get3A_114] : memref<4x512x512xf32, #tpu.memory_space<vmem>>, vector<1x512x512xf32>
    %get3A_116 = vector.shape_cast %get3A_115 : vector<1x512x512xf32> to vector<512x512xf32>
    %get3A_117 = arith.constant 1 : index
    %get3A_118 = arith.constant 0 : index
    %get3A_119 = arith.constant 0 : index
    %get3A_120 = vector.load %arg2[%get3A_117, %get3A_118, %get3A_119] : memref<4x512x512xf32, #tpu.memory_space<vmem>>, vector<1x512x512xf32>
    %get3A_121 = vector.shape_cast %get3A_120 : vector<1x512x512xf32> to vector<512x512xf32>
    %get3A_122 = arith.constant 0 : index
    %get3A_123 = arith.constant 0 : index
    %get3A_124 = arith.constant 0 : index
    %get3A_125 = vector.load %arg6[%get3A_122, %get3A_123, %get3A_124] : memref<1x1x512xi32, #tpu.memory_space<vmem>>, vector<1x1x512xi32>
    %get3A_126 = vector.shape_cast %get3A_125 : vector<1x1x512xi32> to vector<1x512xi32>
    %mul3A_127 = vector.broadcast %get3A_1 : vector<1x512xf32> to vector<512x512xf32>
    %mul3A_128 = arith.mulf %get3A_116, %mul3A_127 : vector<512x512xf32>
    %reduce_sum3A_129 = arith.constant dense<0.000000e+00> : vector<512xf32>
    %reduce_sum3A_130 = vector.multi_reduction <add>, %mul3A_128, %reduce_sum3A_129 [1] : vector<512x512xf32> to vector<512xf32>
    %broadcast_in_dim3A_131 = vector.shape_cast %reduce_sum3A_130 : vector<512xf32> to vector<512x1xf32>
    %mul3A_132 = vector.broadcast %get3A_4 : vector<1x512xf32> to vector<512x512xf32>
    %mul3A_133 = arith.mulf %get3A_121, %mul3A_132 : vector<512x512xf32>
    %reduce_sum3A_134 = arith.constant dense<0.000000e+00> : vector<512xf32>
    %reduce_sum3A_135 = vector.multi_reduction <add>, %mul3A_133, %reduce_sum3A_134 [1] : vector<512x512xf32> to vector<512xf32>
    %broadcast_in_dim3A_136 = vector.shape_cast %reduce_sum3A_135 : vector<512xf32> to vector<512x1xf32>
    %add3A_137 = arith.addf %broadcast_in_dim3A_131, %broadcast_in_dim3A_136 : vector<512x1xf32>
    %add3A_138 = vector.broadcast %get3A_8 : f32 to vector<512x1xf32>
    %add3A_139 = arith.addf %add3A_137, %add3A_138 : vector<512x1xf32>
    %transpose3A_140 = tpu.transpose %get3A_126, [1, 0] : vector<1x512xi32> -> vector<512x1xi32>
    %eq3A_141 = vector.broadcast %transpose3A_140 : vector<512x1xi32> to vector<512x512xi32>
    %eq3A_142 = vector.broadcast %get3A_126 : vector<1x512xi32> to vector<512x512xi32>
    %eq3A_143 = arith.cmpi eq, %eq3A_141, %eq3A_142 : vector<512x512xi32>
    %jit3A_144 = arith.constant 0xFF800000 : f32
    %broadcast_in_dim3A_145 = vector.shape_cast %add3A_139 : vector<512x1xf32> to vector<512x1xf32>
    %broadcast_in_dim3A_146 = vector.broadcast %broadcast_in_dim3A_145 : vector<512x1xf32> to vector<512x512xf32>
    %broadcast_in_dim3A_147 = vector.broadcast %jit3A_144 : f32 to vector<512x512xf32>
    %select_n3A_148 = arith.select %eq3A_143, %broadcast_in_dim3A_146, %broadcast_in_dim3A_147 : vector<512x512xi1>, vector<512x512xf32>
    %reduce_max3A_149 = arith.constant dense<0xFF800000> : vector<512xf32>
    %reduce_max3A_150 = vector.multi_reduction <maximumf>, %select_n3A_148, %reduce_max3A_149 [0] : vector<512x512xf32> to vector<512xf32>
    %broadcast_in_dim3A_151 = vector.shape_cast %reduce_max3A_150 : vector<512xf32> to vector<1x512xf32>
    %lt3A_152 = arith.constant 4 : i32
    %lt3A_153 = vector.broadcast %lt3A_152 : i32 to vector<1x512xi32>
    %lt3A_154 = arith.cmpi slt, %get3A_126, %lt3A_153 : vector<1x512xi32>
    %jit3A_155 = arith.constant 0.000000e+00 : f32
    %broadcast_in_dim3A_156 = vector.broadcast %jit3A_155 : f32 to vector<1x512xf32>
    %select_n3A_157 = arith.select %lt3A_154, %broadcast_in_dim3A_156, %broadcast_in_dim3A_151 : vector<1x512xi1>, vector<1x512xf32>
    %mul3A_158 = arith.constant 4 : i32
    %mul3A_159 = arith.muli %mul3A_158, %arg0 : i32
    %add3A_160 = arith.constant 1 : i32
    %add3A_161 = arith.addi %mul3A_159, %add3A_160 : i32
    %jit3A_162 = arith.constant 8 : i32
    %div3A_163 = arith.divsi %add3A_161, %jit3A_162 : i32
    %sign3A_164 = arith.constant 0 : i32
    %sign3A_165 = arith.cmpi sgt, %add3A_161, %sign3A_164 : i32
    %sign3A_166 = arith.extui %sign3A_165 : i1 to i32
    %sign3A_167 = arith.constant 0 : i32
    %sign3A_168 = arith.cmpi slt, %add3A_161, %sign3A_167 : i32
    %sign3A_169 = arith.extui %sign3A_168 : i1 to i32
    %sign3A_170 = arith.subi %sign3A_166, %sign3A_169 : i32
    %sign3A_171 = arith.constant 0 : i32
    %sign3A_172 = arith.cmpi sgt, %jit3A_162, %sign3A_171 : i32
    %sign3A_173 = arith.extui %sign3A_172 : i1 to i32
    %sign3A_174 = arith.constant 0 : i32
    %sign3A_175 = arith.cmpi slt, %jit3A_162, %sign3A_174 : i32
    %sign3A_176 = arith.extui %sign3A_175 : i1 to i32
    %sign3A_177 = arith.subi %sign3A_173, %sign3A_176 : i32
    %ne3A_178 = arith.cmpi ne, %sign3A_170, %sign3A_177 : i32
    %rem3A_179 = arith.remsi %add3A_161, %jit3A_162 : i32
    %ne3A_180 = arith.constant 0 : i32
    %ne3A_181 = arith.cmpi ne, %rem3A_179, %ne3A_180 : i32
    %and3A_182 = arith.andi %ne3A_178, %ne3A_181 : i1
    %sub3A_183 = arith.constant 1 : i32
    %sub3A_184 = arith.subi %div3A_163, %sub3A_183 : i32
    %select_n3A_185 = arith.select %and3A_182, %sub3A_184, %div3A_163 : i32
    %mul3A_186 = arith.constant 1954 : i32
    %mul3A_187 = arith.muli %select_n3A_185, %mul3A_186 : i32
    %shift_right_arithmetic3A_188 = arith.constant 7 : i32
    %shift_right_arithmetic3A_189 = vector.broadcast %shift_right_arithmetic3A_188 : i32 to vector<1x512xi32>
    %shift_right_arithmetic3A_190 = arith.shrsi %get3A_126, %shift_right_arithmetic3A_189 : vector<1x512xi32>
    %add3A_191 = vector.broadcast %mul3A_187 : i32 to vector<1x512xi32>
    %add3A_192 = arith.addi %add3A_191, %shift_right_arithmetic3A_190 : vector<1x512xi32>
    %mul3A_193 = arith.constant 1024 : i32
    %mul3A_194 = vector.broadcast %mul3A_193 : i32 to vector<1x512xi32>
    %mul3A_195 = arith.muli %add3A_192, %mul3A_194 : vector<1x512xi32>
    %jit3A_196 = arith.constant 8 : i32
    %eq3A_197 = arith.constant 0 : i32
    %eq3A_198 = arith.cmpi eq, %jit3A_196, %eq3A_197 : i32
    %jit3A_199 = arith.constant 1 : i32
    %select_n3A_200 = arith.select %eq3A_198, %jit3A_199, %jit3A_196 : i32
    %rem3A_201 = arith.remsi %add3A_161, %select_n3A_200 : i32
    %ne3A_202 = arith.constant 0 : i32
    %ne3A_203 = arith.cmpi ne, %rem3A_201, %ne3A_202 : i32
    %lt3A_204 = arith.constant 0 : i32
    %lt3A_205 = arith.cmpi slt, %rem3A_201, %lt3A_204 : i32
    %lt3A_206 = arith.constant 0 : i32
    %lt3A_207 = arith.cmpi slt, %select_n3A_200, %lt3A_206 : i32
    %ne3A_208 = arith.xori %lt3A_205, %lt3A_207 : i1
    %and3A_209 = arith.andi %ne3A_208, %ne3A_203 : i1
    %add3A_210 = arith.addi %rem3A_201, %select_n3A_200 : i32
    %select_n3A_211 = arith.select %and3A_209, %add3A_210, %rem3A_201 : i32
    %mul3A_212 = arith.constant 128 : i32
    %mul3A_213 = arith.muli %select_n3A_211, %mul3A_212 : i32
    %add3A_214 = vector.broadcast %mul3A_213 : i32 to vector<1x512xi32>
    %add3A_215 = arith.addi %mul3A_195, %add3A_214 : vector<1x512xi32>
    %and3A_216 = arith.constant 127 : i32
    %and3A_217 = vector.broadcast %and3A_216 : i32 to vector<1x512xi32>
    %and3A_218 = arith.andi %get3A_126, %and3A_217 : vector<1x512xi32>
    %add3A_219 = arith.addi %add3A_215, %and3A_218 : vector<1x512xi32>
    %reshape3A_220 = vector.shape_cast %select_n3A_157 : vector<1x512xf32> to vector<4x128xf32>
    %swap3A_221 = arith.constant 0 : index
    %swap3A_222 = arith.constant 4 : index
    %swap3A_223 = arith.constant 0 : index
    %swap3A_224 = vector.load %arg9[%swap3A_221, %swap3A_222, %swap3A_223] : memref<2x8x128xf32, #tpu.memory_space<vmem>>, vector<1x4x128xf32>
    %swap3A_225 = vector.shape_cast %swap3A_224 : vector<1x4x128xf32> to vector<4x128xf32>
    %swap3A_226 = vector.shape_cast %reshape3A_220 : vector<4x128xf32> to vector<1x4x128xf32>
    tpu.vector_store %arg9[%swap3A_221, %swap3A_222, %swap3A_223], %swap3A_226 {strides = array<i32>} : memref<2x8x128xf32, #tpu.memory_space<vmem>>, vector<1x4x128xf32>,
    %reshape3A_227 = vector.shape_cast %add3A_219 : vector<1x512xi32> to vector<4x128xi32>
    %swap3A_228 = arith.constant 0 : index
    %swap3A_229 = arith.constant 4 : index
    %swap3A_230 = arith.constant 0 : index
    %swap3A_231 = vector.load %arg10[%swap3A_228, %swap3A_229, %swap3A_230] : memref<2x8x128xi32, #tpu.memory_space<vmem>>, vector<1x4x128xi32>
    %swap3A_232 = vector.shape_cast %swap3A_231 : vector<1x4x128xi32> to vector<4x128xi32>
    %swap3A_233 = vector.shape_cast %reshape3A_227 : vector<4x128xi32> to vector<1x4x128xi32>
    tpu.vector_store %arg10[%swap3A_228, %swap3A_229, %swap3A_230], %swap3A_233 {strides = array<i32>} : memref<2x8x128xi32, #tpu.memory_space<vmem>>, vector<1x4x128xi32>,
    %get3A_234 = arith.constant 2 : index
    %get3A_235 = arith.constant 0 : index
    %get3A_236 = arith.constant 0 : index
    %get3A_237 = vector.load %arg1[%get3A_234, %get3A_235, %get3A_236] : memref<4x512x512xf32, #tpu.memory_space<vmem>>, vector<1x512x512xf32>
    %get3A_238 = vector.shape_cast %get3A_237 : vector<1x512x512xf32> to vector<512x512xf32>
    %get3A_239 = arith.constant 2 : index
    %get3A_240 = arith.constant 0 : index
    %get3A_241 = arith.constant 0 : index
    %get3A_242 = vector.load %arg2[%get3A_239, %get3A_240, %get3A_241] : memref<4x512x512xf32, #tpu.memory_space<vmem>>, vector<1x512x512xf32>
    %get3A_243 = vector.shape_cast %get3A_242 : vector<1x512x512xf32> to vector<512x512xf32>
    %get3A_244 = arith.constant 0 : index
    %get3A_245 = arith.constant 0 : index
    %get3A_246 = arith.constant 0 : index
    %get3A_247 = vector.load %arg7[%get3A_244, %get3A_245, %get3A_246] : memref<1x1x512xi32, #tpu.memory_space<vmem>>, vector<1x1x512xi32>
    %get3A_248 = vector.shape_cast %get3A_247 : vector<1x1x512xi32> to vector<1x512xi32>
    %mul3A_249 = vector.broadcast %get3A_1 : vector<1x512xf32> to vector<512x512xf32>
    %mul3A_250 = arith.mulf %get3A_238, %mul3A_249 : vector<512x512xf32>
    %reduce_sum3A_251 = arith.constant dense<0.000000e+00> : vector<512xf32>
    %reduce_sum3A_252 = vector.multi_reduction <add>, %mul3A_250, %reduce_sum3A_251 [1] : vector<512x512xf32> to vector<512xf32>
    %broadcast_in_dim3A_253 = vector.shape_cast %reduce_sum3A_252 : vector<512xf32> to vector<512x1xf32>
    %mul3A_254 = vector.broadcast %get3A_4 : vector<1x512xf32> to vector<512x512xf32>
    %mul3A_255 = arith.mulf %get3A_243, %mul3A_254 : vector<512x512xf32>
    %reduce_sum3A_256 = arith.constant dense<0.000000e+00> : vector<512xf32>
    %reduce_sum3A_257 = vector.multi_reduction <add>, %mul3A_255, %reduce_sum3A_256 [1] : vector<512x512xf32> to vector<512xf32>
    %broadcast_in_dim3A_258 = vector.shape_cast %reduce_sum3A_257 : vector<512xf32> to vector<512x1xf32>
    %add3A_259 = arith.addf %broadcast_in_dim3A_253, %broadcast_in_dim3A_258 : vector<512x1xf32>
    %add3A_260 = vector.broadcast %get3A_8 : f32 to vector<512x1xf32>
    %add3A_261 = arith.addf %add3A_259, %add3A_260 : vector<512x1xf32>
    %transpose3A_262 = tpu.transpose %get3A_248, [1, 0] : vector<1x512xi32> -> vector<512x1xi32>
    %eq3A_263 = vector.broadcast %transpose3A_262 : vector<512x1xi32> to vector<512x512xi32>
    %eq3A_264 = vector.broadcast %get3A_248 : vector<1x512xi32> to vector<512x512xi32>
    %eq3A_265 = arith.cmpi eq, %eq3A_263, %eq3A_264 : vector<512x512xi32>
    %jit3A_266 = arith.constant 0xFF800000 : f32
    %broadcast_in_dim3A_267 = vector.shape_cast %add3A_261 : vector<512x1xf32> to vector<512x1xf32>
    %broadcast_in_dim3A_268 = vector.broadcast %broadcast_in_dim3A_267 : vector<512x1xf32> to vector<512x512xf32>
    %broadcast_in_dim3A_269 = vector.broadcast %jit3A_266 : f32 to vector<512x512xf32>
    %select_n3A_270 = arith.select %eq3A_265, %broadcast_in_dim3A_268, %broadcast_in_dim3A_269 : vector<512x512xi1>, vector<512x512xf32>
    %reduce_max3A_271 = arith.constant dense<0xFF800000> : vector<512xf32>
    %reduce_max3A_272 = vector.multi_reduction <maximumf>, %select_n3A_270, %reduce_max3A_271 [0] : vector<512x512xf32> to vector<512xf32>
    %broadcast_in_dim3A_273 = vector.shape_cast %reduce_max3A_272 : vector<512xf32> to vector<1x512xf32>
    %lt3A_274 = arith.constant 4 : i32
    %lt3A_275 = vector.broadcast %lt3A_274 : i32 to vector<1x512xi32>
    %lt3A_276 = arith.cmpi slt, %get3A_248, %lt3A_275 : vector<1x512xi32>
    %jit3A_277 = arith.constant 0.000000e+00 : f32
    %broadcast_in_dim3A_278 = vector.broadcast %jit3A_277 : f32 to vector<1x512xf32>
    %select_n3A_279 = arith.select %lt3A_276, %broadcast_in_dim3A_278, %broadcast_in_dim3A_273 : vector<1x512xi1>, vector<1x512xf32>
    %mul3A_280 = arith.constant 4 : i32
    %mul3A_281 = arith.muli %mul3A_280, %arg0 : i32
    %add3A_282 = arith.constant 2 : i32
    %add3A_283 = arith.addi %mul3A_281, %add3A_282 : i32
    %jit3A_284 = arith.constant 8 : i32
    %div3A_285 = arith.divsi %add3A_283, %jit3A_284 : i32
    %sign3A_286 = arith.constant 0 : i32
    %sign3A_287 = arith.cmpi sgt, %add3A_283, %sign3A_286 : i32
    %sign3A_288 = arith.extui %sign3A_287 : i1 to i32
    %sign3A_289 = arith.constant 0 : i32
    %sign3A_290 = arith.cmpi slt, %add3A_283, %sign3A_289 : i32
    %sign3A_291 = arith.extui %sign3A_290 : i1 to i32
    %sign3A_292 = arith.subi %sign3A_288, %sign3A_291 : i32
    %sign3A_293 = arith.constant 0 : i32
    %sign3A_294 = arith.cmpi sgt, %jit3A_284, %sign3A_293 : i32
    %sign3A_295 = arith.extui %sign3A_294 : i1 to i32
    %sign3A_296 = arith.constant 0 : i32
    %sign3A_297 = arith.cmpi slt, %jit3A_284, %sign3A_296 : i32
    %sign3A_298 = arith.extui %sign3A_297 : i1 to i32
    %sign3A_299 = arith.subi %sign3A_295, %sign3A_298 : i32
    %ne3A_300 = arith.cmpi ne, %sign3A_292, %sign3A_299 : i32
    %rem3A_301 = arith.remsi %add3A_283, %jit3A_284 : i32
    %ne3A_302 = arith.constant 0 : i32
    %ne3A_303 = arith.cmpi ne, %rem3A_301, %ne3A_302 : i32
    %and3A_304 = arith.andi %ne3A_300, %ne3A_303 : i1
    %sub3A_305 = arith.constant 1 : i32
    %sub3A_306 = arith.subi %div3A_285, %sub3A_305 : i32
    %select_n3A_307 = arith.select %and3A_304, %sub3A_306, %div3A_285 : i32
    %mul3A_308 = arith.constant 1954 : i32
    %mul3A_309 = arith.muli %select_n3A_307, %mul3A_308 : i32
    %shift_right_arithmetic3A_310 = arith.constant 7 : i32
    %shift_right_arithmetic3A_311 = vector.broadcast %shift_right_arithmetic3A_310 : i32 to vector<1x512xi32>
    %shift_right_arithmetic3A_312 = arith.shrsi %get3A_248, %shift_right_arithmetic3A_311 : vector<1x512xi32>
    %add3A_313 = vector.broadcast %mul3A_309 : i32 to vector<1x512xi32>
    %add3A_314 = arith.addi %add3A_313, %shift_right_arithmetic3A_312 : vector<1x512xi32>
    %mul3A_315 = arith.constant 1024 : i32
    %mul3A_316 = vector.broadcast %mul3A_315 : i32 to vector<1x512xi32>
    %mul3A_317 = arith.muli %add3A_314, %mul3A_316 : vector<1x512xi32>
    %jit3A_318 = arith.constant 8 : i32
    %eq3A_319 = arith.constant 0 : i32
    %eq3A_320 = arith.cmpi eq, %jit3A_318, %eq3A_319 : i32
    %jit3A_321 = arith.constant 1 : i32
    %select_n3A_322 = arith.select %eq3A_320, %jit3A_321, %jit3A_318 : i32
    %rem3A_323 = arith.remsi %add3A_283, %select_n3A_322 : i32
    %ne3A_324 = arith.constant 0 : i32
    %ne3A_325 = arith.cmpi ne, %rem3A_323, %ne3A_324 : i32
    %lt3A_326 = arith.constant 0 : i32
    %lt3A_327 = arith.cmpi slt, %rem3A_323, %lt3A_326 : i32
    %lt3A_328 = arith.constant 0 : i32
    %lt3A_329 = arith.cmpi slt, %select_n3A_322, %lt3A_328 : i32
    %ne3A_330 = arith.xori %lt3A_327, %lt3A_329 : i1
    %and3A_331 = arith.andi %ne3A_330, %ne3A_325 : i1
    %add3A_332 = arith.addi %rem3A_323, %select_n3A_322 : i32
    %select_n3A_333 = arith.select %and3A_331, %add3A_332, %rem3A_323 : i32
    %mul3A_334 = arith.constant 128 : i32
    %mul3A_335 = arith.muli %select_n3A_333, %mul3A_334 : i32
    %add3A_336 = vector.broadcast %mul3A_335 : i32 to vector<1x512xi32>
    %add3A_337 = arith.addi %mul3A_317, %add3A_336 : vector<1x512xi32>
    %and3A_338 = arith.constant 127 : i32
    %and3A_339 = vector.broadcast %and3A_338 : i32 to vector<1x512xi32>
    %and3A_340 = arith.andi %get3A_248, %and3A_339 : vector<1x512xi32>
    %add3A_341 = arith.addi %add3A_337, %and3A_340 : vector<1x512xi32>
    %reshape3A_342 = vector.shape_cast %select_n3A_279 : vector<1x512xf32> to vector<4x128xf32>
    %swap3A_343 = arith.constant 1 : index
    %swap3A_344 = arith.constant 0 : index
    %swap3A_345 = arith.constant 0 : index
    %swap3A_346 = vector.load %arg9[%swap3A_343, %swap3A_344, %swap3A_345] : memref<2x8x128xf32, #tpu.memory_space<vmem>>, vector<1x4x128xf32>
    %swap3A_347 = vector.shape_cast %swap3A_346 : vector<1x4x128xf32> to vector<4x128xf32>
    %swap3A_348 = vector.shape_cast %reshape3A_342 : vector<4x128xf32> to vector<1x4x128xf32>
    tpu.vector_store %arg9[%swap3A_343, %swap3A_344, %swap3A_345], %swap3A_348 {strides = array<i32>} : memref<2x8x128xf32, #tpu.memory_space<vmem>>, vector<1x4x128xf32>,
    %reshape3A_349 = vector.shape_cast %add3A_341 : vector<1x512xi32> to vector<4x128xi32>
    %swap3A_350 = arith.constant 1 : index
    %swap3A_351 = arith.constant 0 : index
    %swap3A_352 = arith.constant 0 : index
    %swap3A_353 = vector.load %arg10[%swap3A_350, %swap3A_351, %swap3A_352] : memref<2x8x128xi32, #tpu.memory_space<vmem>>, vector<1x4x128xi32>
    %swap3A_354 = vector.shape_cast %swap3A_353 : vector<1x4x128xi32> to vector<4x128xi32>
    %swap3A_355 = vector.shape_cast %reshape3A_349 : vector<4x128xi32> to vector<1x4x128xi32>
    tpu.vector_store %arg10[%swap3A_350, %swap3A_351, %swap3A_352], %swap3A_355 {strides = array<i32>} : memref<2x8x128xi32, #tpu.memory_space<vmem>>, vector<1x4x128xi32>,
    %get3A_356 = arith.constant 3 : index
    %get3A_357 = arith.constant 0 : index
    %get3A_358 = arith.constant 0 : index
    %get3A_359 = vector.load %arg1[%get3A_356, %get3A_357, %get3A_358] : memref<4x512x512xf32, #tpu.memory_space<vmem>>, vector<1x512x512xf32>
    %get3A_360 = vector.shape_cast %get3A_359 : vector<1x512x512xf32> to vector<512x512xf32>
    %get3A_361 = arith.constant 3 : index
    %get3A_362 = arith.constant 0 : index
    %get3A_363 = arith.constant 0 : index
    %get3A_364 = vector.load %arg2[%get3A_361, %get3A_362, %get3A_363] : memref<4x512x512xf32, #tpu.memory_space<vmem>>, vector<1x512x512xf32>
    %get3A_365 = vector.shape_cast %get3A_364 : vector<1x512x512xf32> to vector<512x512xf32>
    %get3A_366 = arith.constant 0 : index
    %get3A_367 = arith.constant 0 : index
    %get3A_368 = arith.constant 0 : index
    %get3A_369 = vector.load %arg8[%get3A_366, %get3A_367, %get3A_368] : memref<1x1x512xi32, #tpu.memory_space<vmem>>, vector<1x1x512xi32>
    %get3A_370 = vector.shape_cast %get3A_369 : vector<1x1x512xi32> to vector<1x512xi32>
    %mul3A_371 = vector.broadcast %get3A_1 : vector<1x512xf32> to vector<512x512xf32>
    %mul3A_372 = arith.mulf %get3A_360, %mul3A_371 : vector<512x512xf32>
    %reduce_sum3A_373 = arith.constant dense<0.000000e+00> : vector<512xf32>
    %reduce_sum3A_374 = vector.multi_reduction <add>, %mul3A_372, %reduce_sum3A_373 [1] : vector<512x512xf32> to vector<512xf32>
    %broadcast_in_dim3A_375 = vector.shape_cast %reduce_sum3A_374 : vector<512xf32> to vector<512x1xf32>
    %mul3A_376 = vector.broadcast %get3A_4 : vector<1x512xf32> to vector<512x512xf32>
    %mul3A_377 = arith.mulf %get3A_365, %mul3A_376 : vector<512x512xf32>
    %reduce_sum3A_378 = arith.constant dense<0.000000e+00> : vector<512xf32>
    %reduce_sum3A_379 = vector.multi_reduction <add>, %mul3A_377, %reduce_sum3A_378 [1] : vector<512x512xf32> to vector<512xf32>
    %broadcast_in_dim3A_380 = vector.shape_cast %reduce_sum3A_379 : vector<512xf32> to vector<512x1xf32>
    %add3A_381 = arith.addf %broadcast_in_dim3A_375, %broadcast_in_dim3A_380 : vector<512x1xf32>
    %add3A_382 = vector.broadcast %get3A_8 : f32 to vector<512x1xf32>
    %add3A_383 = arith.addf %add3A_381, %add3A_382 : vector<512x1xf32>
    %transpose3A_384 = tpu.transpose %get3A_370, [1, 0] : vector<1x512xi32> -> vector<512x1xi32>
    %eq3A_385 = vector.broadcast %transpose3A_384 : vector<512x1xi32> to vector<512x512xi32>
    %eq3A_386 = vector.broadcast %get3A_370 : vector<1x512xi32> to vector<512x512xi32>
    %eq3A_387 = arith.cmpi eq, %eq3A_385, %eq3A_386 : vector<512x512xi32>
    %jit3A_388 = arith.constant 0xFF800000 : f32
    %broadcast_in_dim3A_389 = vector.shape_cast %add3A_383 : vector<512x1xf32> to vector<512x1xf32>
    %broadcast_in_dim3A_390 = vector.broadcast %broadcast_in_dim3A_389 : vector<512x1xf32> to vector<512x512xf32>
    %broadcast_in_dim3A_391 = vector.broadcast %jit3A_388 : f32 to vector<512x512xf32>
    %select_n3A_392 = arith.select %eq3A_387, %broadcast_in_dim3A_390, %broadcast_in_dim3A_391 : vector<512x512xi1>, vector<512x512xf32>
    %reduce_max3A_393 = arith.constant dense<0xFF800000> : vector<512xf32>
    %reduce_max3A_394 = vector.multi_reduction <maximumf>, %select_n3A_392, %reduce_max3A_393 [0] : vector<512x512xf32> to vector<512xf32>
    %broadcast_in_dim3A_395 = vector.shape_cast %reduce_max3A_394 : vector<512xf32> to vector<1x512xf32>
    %lt3A_396 = arith.constant 4 : i32
    %lt3A_397 = vector.broadcast %lt3A_396 : i32 to vector<1x512xi32>
    %lt3A_398 = arith.cmpi slt, %get3A_370, %lt3A_397 : vector<1x512xi32>
    %jit3A_399 = arith.constant 0.000000e+00 : f32
    %broadcast_in_dim3A_400 = vector.broadcast %jit3A_399 : f32 to vector<1x512xf32>
    %select_n3A_401 = arith.select %lt3A_398, %broadcast_in_dim3A_400, %broadcast_in_dim3A_395 : vector<1x512xi1>, vector<1x512xf32>
    %mul3A_402 = arith.constant 4 : i32
    %mul3A_403 = arith.muli %mul3A_402, %arg0 : i32
    %add3A_404 = arith.constant 3 : i32
    %add3A_405 = arith.addi %mul3A_403, %add3A_404 : i32
    %jit3A_406 = arith.constant 8 : i32
    %div3A_407 = arith.divsi %add3A_405, %jit3A_406 : i32
    %sign3A_408 = arith.constant 0 : i32
    %sign3A_409 = arith.cmpi sgt, %add3A_405, %sign3A_408 : i32
    %sign3A_410 = arith.extui %sign3A_409 : i1 to i32
    %sign3A_411 = arith.constant 0 : i32
    %sign3A_412 = arith.cmpi slt, %add3A_405, %sign3A_411 : i32
    %sign3A_413 = arith.extui %sign3A_412 : i1 to i32
    %sign3A_414 = arith.subi %sign3A_410, %sign3A_413 : i32
    %sign3A_415 = arith.constant 0 : i32
    %sign3A_416 = arith.cmpi sgt, %jit3A_406, %sign3A_415 : i32
    %sign3A_417 = arith.extui %sign3A_416 : i1 to i32
    %sign3A_418 = arith.constant 0 : i32
    %sign3A_419 = arith.cmpi slt, %jit3A_406, %sign3A_418 : i32
    %sign3A_420 = arith.extui %sign3A_419 : i1 to i32
    %sign3A_421 = arith.subi %sign3A_417, %sign3A_420 : i32
    %ne3A_422 = arith.cmpi ne, %sign3A_414, %sign3A_421 : i32
    %rem3A_423 = arith.remsi %add3A_405, %jit3A_406 : i32
    %ne3A_424 = arith.constant 0 : i32
    %ne3A_425 = arith.cmpi ne, %rem3A_423, %ne3A_424 : i32
    %and3A_426 = arith.andi %ne3A_422, %ne3A_425 : i1
    %sub3A_427 = arith.constant 1 : i32
    %sub3A_428 = arith.subi %div3A_407, %sub3A_427 : i32
    %select_n3A_429 = arith.select %and3A_426, %sub3A_428, %div3A_407 : i32
    %mul3A_430 = arith.constant 1954 : i32
    %mul3A_431 = arith.muli %select_n3A_429, %mul3A_430 : i32
    %shift_right_arithmetic3A_432 = arith.constant 7 : i32
    %shift_right_arithmetic3A_433 = vector.broadcast %shift_right_arithmetic3A_432 : i32 to vector<1x512xi32>
    %shift_right_arithmetic3A_434 = arith.shrsi %get3A_370, %shift_right_arithmetic3A_433 : vector<1x512xi32>
    %add3A_435 = vector.broadcast %mul3A_431 : i32 to vector<1x512xi32>
    %add3A_436 = arith.addi %add3A_435, %shift_right_arithmetic3A_434 : vector<1x512xi32>
    %mul3A_437 = arith.constant 1024 : i32
    %mul3A_438 = vector.broadcast %mul3A_437 : i32 to vector<1x512xi32>
    %mul3A_439 = arith.muli %add3A_436, %mul3A_438 : vector<1x512xi32>
    %jit3A_440 = arith.constant 8 : i32
    %eq3A_441 = arith.constant 0 : i32
    %eq3A_442 = arith.cmpi eq, %jit3A_440, %eq3A_441 : i32
    %jit3A_443 = arith.constant 1 : i32
    %select_n3A_444 = arith.select %eq3A_442, %jit3A_443, %jit3A_440 : i32
    %rem3A_445 = arith.remsi %add3A_405, %select_n3A_444 : i32
    %ne3A_446 = arith.constant 0 : i32
    %ne3A_447 = arith.cmpi ne, %rem3A_445, %ne3A_446 : i32
    %lt3A_448 = arith.constant 0 : i32
    %lt3A_449 = arith.cmpi slt, %rem3A_445, %lt3A_448 : i32
    %lt3A_450 = arith.constant 0 : i32
    %lt3A_451 = arith.cmpi slt, %select_n3A_444, %lt3A_450 : i32
    %ne3A_452 = arith.xori %lt3A_449, %lt3A_451 : i1
    %and3A_453 = arith.andi %ne3A_452, %ne3A_447 : i1
    %add3A_454 = arith.addi %rem3A_445, %select_n3A_444 : i32
    %select_n3A_455 = arith.select %and3A_453, %add3A_454, %rem3A_445 : i32
    %mul3A_456 = arith.constant 128 : i32
    %mul3A_457 = arith.muli %select_n3A_455, %mul3A_456 : i32
    %add3A_458 = vector.broadcast %mul3A_457 : i32 to vector<1x512xi32>
    %add3A_459 = arith.addi %mul3A_439, %add3A_458 : vector<1x512xi32>
    %and3A_460 = arith.constant 127 : i32
    %and3A_461 = vector.broadcast %and3A_460 : i32 to vector<1x512xi32>
    %and3A_462 = arith.andi %get3A_370, %and3A_461 : vector<1x512xi32>
    %add3A_463 = arith.addi %add3A_459, %and3A_462 : vector<1x512xi32>
    %reshape3A_464 = vector.shape_cast %select_n3A_401 : vector<1x512xf32> to vector<4x128xf32>
    %swap3A_465 = arith.constant 1 : index
    %swap3A_466 = arith.constant 4 : index
    %swap3A_467 = arith.constant 0 : index
    %swap3A_468 = vector.load %arg9[%swap3A_465, %swap3A_466, %swap3A_467] : memref<2x8x128xf32, #tpu.memory_space<vmem>>, vector<1x4x128xf32>
    %swap3A_469 = vector.shape_cast %swap3A_468 : vector<1x4x128xf32> to vector<4x128xf32>
    %swap3A_470 = vector.shape_cast %reshape3A_464 : vector<4x128xf32> to vector<1x4x128xf32>
    tpu.vector_store %arg9[%swap3A_465, %swap3A_466, %swap3A_467], %swap3A_470 {strides = array<i32>} : memref<2x8x128xf32, #tpu.memory_space<vmem>>, vector<1x4x128xf32>,
    %reshape3A_471 = vector.shape_cast %add3A_463 : vector<1x512xi32> to vector<4x128xi32>
    %swap3A_472 = arith.constant 1 : index
    %swap3A_473 = arith.constant 4 : index
    %swap3A_474 = arith.constant 0 : index
    %swap3A_475 = vector.load %arg10[%swap3A_472, %swap3A_473, %swap3A_474] : memref<2x8x128xi32, #tpu.memory_space<vmem>>, vector<1x4x128xi32>
    %swap3A_476 = vector.shape_cast %swap3A_475 : vector<1x4x128xi32> to vector<4x128xi32>
    %swap3A_477 = vector.shape_cast %reshape3A_471 : vector<4x128xi32> to vector<1x4x128xi32>
    tpu.vector_store %arg10[%swap3A_472, %swap3A_473, %swap3A_474], %swap3A_477 {strides = array<i32>} : memref<2x8x128xi32, #tpu.memory_space<vmem>>, vector<1x4x128xi32>,
    return
  }
  func.func @transform_0(%arg0: i32) -> (i32, i32, i32) {
    %c0_i32 = arith.constant 0 : i32
    %c0_i32_0 = arith.constant 0 : i32
    %c0_i32_1 = arith.constant 0 : i32
    return %arg0, %c0_i32, %c0_i32_0 : i32, i32, i32
  }
  func.func @transform_1(%arg0: i32) -> (i32, i32, i32) {
    %c0_i32 = arith.constant 0 : i32
    %c1_i32 = arith.constant 1 : i32
    %c0_i32_0 = arith.constant 0 : i32
    return %arg0, %c0_i32, %c1_i32 : i32, i32, i32
  }
  func.func @transform_2(%arg0: i32) -> (i32, i32) {
    %c0_i32 = arith.constant 0 : i32
    %c0_i32_0 = arith.constant 0 : i32
    %c0_i32_1 = arith.constant 0 : i32
    return %c0_i32, %c0_i32_0 : i32, i32
  }
  func.func @transform_3(%arg0: i32) -> (i32, i32) {
    %c0_i32 = arith.constant 0 : i32
    %c0_i32_0 = arith.constant 0 : i32
    %c0_i32_1 = arith.constant 0 : i32
    return %c0_i32, %c0_i32_0 : i32, i32
  }
  func.func @transform_4(%arg0: i32) -> (i32, i32, i32) {
    %mul3A = arith.constant 4 : i32
    %mul3A_0 = arith.muli %mul3A, %arg0 : i32
    %add3A = arith.constant 0 : i32
    %add3A_1 = arith.addi %mul3A_0, %add3A : i32
    %c0_i32 = arith.constant 0 : i32
    %c0_i32_2 = arith.constant 0 : i32
    %c0_i32_3 = arith.constant 0 : i32
    return %add3A_1, %c0_i32, %c0_i32_2 : i32, i32, i32
  }
  func.func @transform_5(%arg0: i32) -> (i32, i32, i32) {
    %mul3A = arith.constant 4 : i32
    %mul3A_0 = arith.muli %mul3A, %arg0 : i32
    %add3A = arith.constant 1 : i32
    %add3A_1 = arith.addi %mul3A_0, %add3A : i32
    %c0_i32 = arith.constant 0 : i32
    %c0_i32_2 = arith.constant 0 : i32
    %c0_i32_3 = arith.constant 0 : i32
    return %add3A_1, %c0_i32, %c0_i32_2 : i32, i32, i32
  }
  func.func @transform_6(%arg0: i32) -> (i32, i32, i32) {
    %mul3A = arith.constant 4 : i32
    %mul3A_0 = arith.muli %mul3A, %arg0 : i32
    %add3A = arith.constant 2 : i32
    %add3A_1 = arith.addi %mul3A_0, %add3A : i32
    %c0_i32 = arith.constant 0 : i32
    %c0_i32_2 = arith.constant 0 : i32
    %c0_i32_3 = arith.constant 0 : i32
    return %add3A_1, %c0_i32, %c0_i32_2 : i32, i32, i32
  }
  func.func @transform_7(%arg0: i32) -> (i32, i32, i32) {
    %mul3A = arith.constant 4 : i32
    %mul3A_0 = arith.muli %mul3A, %arg0 : i32
    %add3A = arith.constant 3 : i32
    %add3A_1 = arith.addi %mul3A_0, %add3A : i32
    %c0_i32 = arith.constant 0 : i32
    %c0_i32_2 = arith.constant 0 : i32
    %c0_i32_3 = arith.constant 0 : i32
    return %add3A_1, %c0_i32, %c0_i32_2 : i32, i32, i32
  }
  func.func @transform_8(%arg0: i32) -> (i32, i32, i32) {
    %c0_i32 = arith.constant 0 : i32
    %c0_i32_0 = arith.constant 0 : i32
    %c0_i32_1 = arith.constant 0 : i32
    return %arg0, %c0_i32, %c0_i32_0 : i32, i32, i32
  }
  func.func @transform_9(%arg0: i32) -> (i32, i32, i32) {
    %c0_i32 = arith.constant 0 : i32
    %c0_i32_0 = arith.constant 0 : i32
    %c0_i32_1 = arith.constant 0 : i32
    return %arg0, %c0_i32, %c0_i32_0 : i32, i32, i32
  }
}

</mosaic_0001>

<sc_bundles>
// kernel: kernel.4.cloned.1.call-start
scs
__scs_entry_jumppad:
0x0: {  	(pc) =	sbr.rel $0x88, $3  }
0x1: {  	(tag) =	ssettag $0x0;
	lr =	simm.s32 $0x1  }
0x2: {  	[smem:$0x3F9D] =	sst lr;
	_ =	strace $0xD0000000  }
0x3: {  	_ = 	snop  }
0x4: {  	_ = 	snop  }
0x5: {  	_ = 	snop  }
0x6: {  	_ = 	snop  }
0x7: {  	_ = 	snop  }
__scs_overlays_trampoline_lowered:
0x8: {  	[smem:$0x3FAC] =	sst s0  }
0x9: {  	[smem:$0x3FAD] =	sst s1  }
0xa: {  	[smem:$0x3FAE] =	sst s2  }
0xb: {  	[smem:$0x3FAF] =	sst s3  }
0xc: {  	[smem:$0x3FB0] =	sst s4  }
0xd: {  	[smem:$0x3FB1] =	sst s5  }
0xe: {  	[smem:$0x3FB2] =	sst s6  }
0xf: {  	[smem:$0x3FB3] =	sst s7  }
0x10: {  	[smem:$0x3FB4] =	sst s8  }
0x11: {  	[smem:$0x3FB5] =	sst s9;
	s0 =	simm.s32 @!p0 $0x0  }
0x12: {  	s1 =	sld [smem:$0x3F9B];
	s0 =	simm.s32 @p0 $0x1  }
0x13: {  	[smem:$0x3FB6] =	sst s0;
	s0 =	simm.s32 @!p1 $0x0  }
0x14: {  	s2 =	sld [smem:$0x3F9A];
	s0 =	simm.s32 @p1 $0x1  }
0x15: {  	[smem:$0x3FB7] =	sst s0;
	s0 =	simm.s32 @!p2 $0x0  }
0x16: {  	s3 =	sld [smem:$0x3FDB];
	s0 =	simm.s32 @p2 $0x1  }
0x17: {  	s4 =	simm.s32 $0x1BF5;
	[smem:$0x3FB9] =	sst s0  }
0x18: {  	s0 =	sld [smem:$0x3F9C];
	_ =	swait.ge [sflag:s4], $0x0  }
0x19: {  	s7 =	sld [smem:$0x3F9D]  }
0x1a: {  	s8 =	sadd.s32 $0xFFFFE003, lr  }
0x1b: {  	s9 =	sadd.s32 $0xFFFFFEF7, lr;
	s5 =	simm.s32 $0xFFFFFFFF;
	p2 =	slt.u32 s8, $0xFFFFF086  }
0x1c: {  	p1 =	slt.u32 s9, $0xF7A;
	s5 =	simm.s32 @!p2 $0x0  }
0x1d: {  	s5 =	simm.s32 @p1 $0x1;
	p0 =	seq.s32 s7, s2  }
0x1e: {  	s7 =	smul.u32 @!p0 $0xF7A, s2;
	p2 =	seq.s32 @!p0 s5, $0x0  }
0x1f: {  	s9 =	smul.u32 $0xF7A, s1;
	s8 =	simm.s32 @!p0 $0x1BF5;
	p2 =	por !p2, p0  }
0x20: {  	[sflag:s8] =	ssyncset.s32 @!p0 $0xFFFFF086;
	s6 =	sadd.s32 @!p0 s3, s7;
	s7 =	simm.s32 @!p0 $0x108  }
0x21: {  	s3 =	sadd.s32 s3, s9;
	s6 =	sadd.s32 @!p0 $0x88, s6;
	s7 =	simm.s32 @p2 $0x1082  }
0x22: {  	[simem:s7], [sflag:s8] =	dma.local @!p0 [hbm:s6], $0xF7A  }
0x23: {  	s9 =	sor.u32 $0xD0000000, s2;
	s6 =	simm.s32 $0x108;
	_ =	swait.ge @!p0 [sflag:s8], $0x0  }
0x24: {  	s3 =	sadd.s32 $0x88, s3;
	s6 =	simm.s32 @!p1 $0x1082;
	[sflag:s4] =	ssyncset.s32 $0xFFFFF086  }
0x25: {  	[simem:s6], [sflag:s4] =	dma.local [hbm:s3], $0xF7A  }
0x26: {  	[smem:$0x3F9D] =	sst s1;
	(tag) =	ssettag s2;
	_ =	strace s9  }
0x27: {  	s1 =	sld [smem:$0x3FAD]  }
0x28: {  	s2 =	sld [smem:$0x3FAE]  }
0x29: {  	s4 =	sld [smem:$0x3FB0]  }
0x2a: {  	p0 =	seq.s32 s5, $0x0;
	s5 =	sld [smem:$0x3FB1]  }
0x2b: {  	s6 =	sld [smem:$0x3FB2]  }
0x2c: {  	s7 =	sld [smem:$0x3FB3]  }
0x2d: {  	s3 =	simm.s32 $0x108;
	s8 =	sld [smem:$0x3FB4]  }
0x2e: {  	s3 =	simm.s32 @!p0 $0x1082;
	s9 =	sld [smem:$0x3FB5]  }
0x2f: {  	lr =	sadd.s32 s0, s3;
	s0 =	sld [smem:$0x3FAC]  }
0x30: {  	s3 =	sld [smem:$0x3FAF]  }
0x31: {  	[smem:$0x3FB8] =	sst s10  }
0x32: {  	s10 =	sld [smem:$0x3FB6];
	_ =	sdelay $0x3  }
0x33: {  	p0 =	seq.s32 s10, $0x1;
	s10 =	sld [smem:$0x3FB8];
	_ =	sdelay $0x3  }
0x34: {  	[smem:$0x3FB8] =	sst s10  }
0x35: {  	s10 =	sld [smem:$0x3FB7];
	_ =	sdelay $0x3  }
0x36: {  	p1 =	seq.s32 s10, $0x1;
	s10 =	sld [smem:$0x3FB8];
	_ =	sdelay $0x3  }
0x37: {  	[smem:$0x3FB8] =	sst s10  }
0x38: {  	s10 =	sld [smem:$0x3FB9]  }
0x39: {  	_ = 	snop;
	(pc) =	sbr.ind lr, $3  }
0x3a: {  	_ = 	snop  }
0x3b: {  	_ = 	snop  }
0x3c: {  	p2 =	seq.s32 s10, $0x1;
	s10 =	sld [smem:$0x3FB8]  }
0x3d: {  	_ =	shalt  }
0x3e: {  	_ =	shalt  }
0x3f: {  	_ =	shalt  }
0x40: {  	_ =	shalt  }
0x41: {  	_ =	shalt  }
0x42: {  	_ =	shalt  }
0x43: {  	_ =	shalt  }
0x44: {  	_ =	shalt  }
0x45: {  	_ =	shalt  }
0x46: {  	_ =	shalt  }
0x47: {  	_ =	shalt  }
0x48: {  	_ =	shalt  }
0x49: {  	_ =	shalt  }
0x4a: {  	_ =	shalt  }
0x4b: {  	_ =	shalt  }
0x4c: {  	_ =	shalt  }
0x4d: {  	_ =	shalt  }
0x4e: {  	_ =	shalt  }
0x4f: {  	_ =	shalt  }
0x50: {  	_ =	shalt  }
0x51: {  	_ =	shalt  }
0x52: {  	_ =	shalt  }
0x53: {  	_ =	shalt  }
0x54: {  	_ =	shalt  }
0x55: {  	_ =	shalt  }
0x56: {  	_ =	shalt  }
0x57: {  	_ =	shalt  }
0x58: {  	_ =	shalt  }
0x59: {  	_ =	shalt  }
0x5a: {  	_ =	shalt  }
0x5b: {  	_ =	shalt  }
0x5c: {  	_ =	shalt  }
0x5d: {  	_ =	shalt  }
0x5e: {  	_ =	shalt  }
0x5f: {  	_ =	shalt  }
0x60: {  	_ =	shalt  }
0x61: {  	_ =	shalt  }
0x62: {  	_ =	shalt  }
0x63: {  	_ =	shalt  }
0x64: {  	_ =	shalt  }
0x65: {  	_ =	shalt  }
0x66: {  	_ =	shalt  }
0x67: {  	_ =	shalt  }
0x68: {  	_ =	shalt  }
0x69: {  	_ =	shalt  }
0x6a: {  	_ =	shalt  }
0x6b: {  	_ =	shalt  }
0x6c: {  	_ =	shalt  }
0x6d: {  	_ =	shalt  }
0x6e: {  	_ =	shalt  }
0x6f: {  	_ =	shalt  }
0x70: {  	_ =	shalt  }
0x71: {  	_ =	shalt  }
0x72: {  	_ =	shalt  }
0x73: {  	_ =	shalt  }
0x74: {  	_ =	shalt  }
0x75: {  	_ =	shalt  }
0x76: {  	_ =	shalt  }
0x77: {  	_ =	shalt  }
0x78: {  	_ =	shalt  }
0x79: {  	_ =	shalt  }
0x7a: {  	_ =	shalt  }
0x7b: {  	_ =	shalt  }
0x7c: {  	_ =	shalt  }
0x7d: {  	_ =	shalt  }
0x7e: {  	_ =	shalt  }
0x7f: {  	_ =	shalt  }
0x80: {  	_ =	shalt  }
0x81: {  	_ =	shalt  }
0x82: {  	_ =	shalt  }
0x83: {  	_ =	shalt  }
0x84: {  	_ =	shalt  }
0x85: {  	_ =	shalt  }
0x86: {  	_ =	shalt  }
0x87: {  	_ =	shalt  }
.Lfunc_end0:
.L_simem_size_0:
called_computation_lowered:
.L_overlay_start_0:
0x88: {  	s2 =	sld [smem:$0x3FD9]  }
0x89: {  	s3 =	sld [smem:$0x3FFE];
	_ =	sdelay $0x1  }
0x8a: {  	s1 =	srdreg.scid  }
0x8b: {  	s0 =	sand.u32 $0x1, s1  }
0x8c: {  	s17 =	sshll.u32 s0, $0xA;
	s2 =	sadd.s32 s3, s2  }
0x8d: {  	s2 =	sadd.s32 s2, s17  }
0x8e: {  	[smem:$0x3FC4] =	sst s2  }
0x8f: {  	_ = 	snop  }
0x90: {  	s2 =	sld [smem:$0x3FD0];
	(tm) =	ssettm $0x1  }
0x91: {  	s18 =	sld [smem:$0x3FFB];
	_ =	sdelay $0x3  }
0x92: {  	_ =	strace s18  }
0x93: {  	s3 =	sld [smem:$0x3FFC];
	_ =	sdelay $0x3  }
0x94: {  	_ =	strace s3  }
0x95: {  	s3 =	sld [smem:$0x3FFD];
	_ =	sdelay $0x3  }
0x96: {  	_ =	strace s3  }
0x97: {  	_ =	strace $0x8FFFFFFF  }
0x98: {  	s19 =	sld [smem:$0x3FDB];
	_ =	sdelay $0x1  }
0x99: {  	s4 =	simm.s32 $_scs_section_size  }
0x9a: {  	s5 =	simm.s32 $_size__tile_overlayer_lowered;
	s6 =	simm.s32 $_tile_overlayer_lowered  }
0x9b: {  	s22 =	simm.s32 $0x1BFF;
	s21 =	sshll.u32 s6, $0x1;
	s3 =	sadd.s32 s4, s19  }
0x9c: {  	s7 =	simm.s32 $0x0;
	s20 =	sshll.u32 s5, $0x1;
	s5 =	sadd.s32 s21, s3  }
0x9d: {  	[timem:s7], [sflag:s22] =	dma.local [hbm:s5], s20  }
0x9e: {  	_ =	swait.ge [sflag:s22], s20  }
0x9f: {  	s4 =	ssub.s32 $0x0, s20;
	[sflag:s22] =	ssyncset.done $0x0  }
0xa0: {  	[sflag:s22] =	ssyncadd.s32 s4;
	_ =	sdelay $0x1  }
0xa1: {  	s23 =	simm.s32 $0x1B8B  }
0xa2: {  	_ =	swait.ge [sflag:s23], $0x1  }
0xa3: {  	[sflag:s23] =	ssyncset.done $0x0  }
0xa4: {  	s25 =	simm.s32 $0x1B8E;
	s24 =	sld [smem:$0x3FFE];
	[sflag:s23] =	ssyncadd.s32 $0xFFFFFFFF  }
0xa5: {  	s26 =	simm.s32 $execute0_lowered;
	[smem:$0x3FD2] =	sst s25  }
0xa6: {  	s5 =	sshll.u32 s26, $0x1;
	_ =	strace $0x80000046;
	[dreg:$0x1] =	wrdreg $0xFFFFFFFF  }
0xa7: {  	s28 =	simm.s32 $_size_execute0_lowered;
	s3 =	sadd.s32 s3, s5;
	[dreg:$0x0] =	wrdreg $0x0  }
0xa8: {  	s5 =	sshll.u32 s28, $0x1;
	[dreg:$0x2] =	wrdreg s3  }
0xa9: {  	[dreg:$0x3] =	wrdreg s5  }
0xaa: {  	[dreg:$0x4] =	wrdreg $0xC0  }
0xab: {  	_ =	task [dreg:s7], $0x5FFFF  }
0xac: {  	[dreg:$0x1] =	wrdreg $0xFFFFFFFF  }
0xad: {  	[dreg:$0x0] =	wrdreg $0x60  }
0xae: {  	[dreg:$0x2] =	wrdreg s24  }
0xaf: {  	[dreg:$0x3] =	wrdreg s2  }
0xb0: {  	[dreg:$0x4] =	wrdreg $0x9  }
0xb1: {  	_ =	task.clear_ibuf [dreg:s7], $0x5FFFF;
	_ =	strace $0x90000046  }
0xb2: {  	s29 =	simm.s32 $0x9;
	_ =	strace $0x80000048  }
0xb3: {  	_ =	swait.ge [sflag:s29], $0x1  }
0xb4: {  	[sflag:s29] =	ssyncadd.s32 $0xFFFFFFFF  }
0xb5: {  	_ =	strace $0x90000048  }
0xb6: {  	_ =	sfence  }
0xb7: {  	s30 =	sld [smem:$0x0];
	_ =	sdelay $0x2  }
0xb8: {  	s31 =	sshll.u32 s1, $0xD;
	s1 =	sshrl.u32 s1, $0x2  }
0xb9: {  	s3 =	sand.u32 $0x4000, s31;
	s1 =	sadd.s32 s1, s30  }
0xba: {  	s0 =	sor.u32 s3, s0;
	s1 =	sshll.u32 s1, $0x11  }
0xbb: {  	s0 =	sor.u32 s1, s0  }
0xbc: {  	s0 =	sadd.s32 $0x8F2B, s0  }
0xbd: {  	[sflag:s0] =	ssyncadd.remote.s32 $0x1  }
0xbe: {  	_ =	sfence.sel $0xFFFF  }
0xbf: {  	[dreg:$0x0] =	wrdreg $0xFFFFFFFF;
	(pc) =	sbr.abs _section_cstart, $3  }
0xc0: {  	[dreg:$0x1] =	wrdreg $0xFFFFFFFF  }
0xc1: {  	_ =	task.clear_ibuf [dreg:s7], $0x2FFFF;
	_ =	strace $0x9FFFFFFF  }
0xc2: {  	(tm) =	ssettm $0x7FFFFFFF  }
0xc3: {  	_ =	shalt  }
tec
execute0_lowered:
.L_overlay_start_1:
0x0: {  	(tag) =	ssettag $0x1  }
0x1: {  	s0 =	srdreg.scid  }
0x2: {  	s1 =	rddreg [dreg:$0x0];
	s0 =	sand.u32 $0x1, s0  }
0x3: {  	s2 =	rddreg [dreg:$0x1];
	s5 =	stileid.u32;
	s4 =	sshll.u32 s0, $0x4  }
0x4: {  	s8 =	rddreg [dreg:$0x2];
	s3 =	simm.s32 $0x0;
	s4 =	sor.u32 s5, s4  }
0x5: {  	[smem:$0x7FF] =	sst s3;
	s5 =	sshll.u32 s4, $0x7  }
0x6: {  	s4 =	smul.u32 $0x7A200, s4;
	s5 =	sadd.s32 s5, s1;
	s1 =	sadd.s32 $0x2C00, s1  }
0x7: {  	_ =	strace $0x80000047;
	[dreg:$0x3] =	wrdreg s1;
	s20 =	sadd.s32 $0xC00, s5  }
0x8: {  	s4 =	sshrl.u32 s4, $0x3;
	s21 =	sadd.s32 $0x1C00, s5;
	[dreg:$0x4] =	wrdreg s20  }
0x9: {  	s22 =	sadd.s32 s2, s4;
	[dreg:$0x5] =	wrdreg s21  }
0xa: {  	s1 =	rddreg [dreg:$0x3];
	s23 =	sadd.s32 $0x7A2, s22  }
0xb: {  	s24 =	sadd.s32 $0xF44, s22;
	[dreg:$0x6] =	wrdreg s23  }
0xc: {  	s25 =	sadd.s32 $0x16E6, s22;
	[dreg:$0x7] =	wrdreg s24  }
0xd: {  	s26 =	sadd.s32 $0x1E88, s22;
	[dreg:$0x8] =	wrdreg s25  }
0xe: {  	s4 =	sadd.s32 $0x262A, s22;
	[dreg:$0x9] =	wrdreg s26  }
0xf: {  	s5 =	sadd.s32 $0x2DCC, s22;
	[dreg:$0xa] =	wrdreg s4  }
0x10: {  	s6 =	sadd.s32 $0x356E, s22;
	[dreg:$0xb] =	wrdreg s5  }
0x11: {  	s7 =	sadd.s32 $0x3D10, s22;
	[dreg:$0xc] =	wrdreg s6  }
0x12: {  	s9 =	sadd.s32 $0x44B2, s22;
	[dreg:$0xd] =	wrdreg s7  }
0x13: {  	s10 =	sadd.s32 $0x4C54, s22;
	[dreg:$0xe] =	wrdreg s9  }
0x14: {  	s11 =	sadd.s32 $0x53F6, s22;
	[dreg:$0xf] =	wrdreg s10  }
0x15: {  	s12 =	sadd.s32 $0x5B98, s22;
	[dreg:$0x10] =	wrdreg s11  }
0x16: {  	s13 =	sadd.s32 $0x633A, s22;
	[dreg:$0x11] =	wrdreg s12  }
0x17: {  	s14 =	sadd.s32 $0x6ADC, s22;
	[dreg:$0x12] =	wrdreg s13  }
0x18: {  	s15 =	sadd.s32 $0x727E, s22;
	[dreg:$0x13] =	wrdreg s14  }
0x19: {  	s16 =	sadd.s32 $0x7A20, s22;
	[dreg:$0x14] =	wrdreg s15  }
0x1a: {  	s17 =	sadd.s32 $0x81C2, s22;
	[dreg:$0x15] =	wrdreg s16  }
0x1b: {  	s31 =	simm.s32 $0x800;
	s18 =	sadd.s32 $0x8964, s22;
	[dreg:$0x16] =	wrdreg s17  }
0x1c: {  	p0 =	por $0x0, $0x0;
	s19 =	sadd.s32 $0x9106, s22;
	[dreg:$0x17] =	wrdreg s18  }
0x1d: {  	s0 =	ssub.s32 $0x2, s0;
	s20 =	sadd.s32 $0x98A8, s22;
	[dreg:$0x18] =	wrdreg s19  }
0x1e: {  	s21 =	sadd.s32 $0xA04A, s22;
	s28 =	sadd.s32 $0xDD5A, s22;
	[dreg:$0x19] =	wrdreg s20  }
0x1f: {  	s29 =	sadd.s32 $0xE4FC, s22;
	s30 =	sadd.s32 $0xEC9E, s22;
	[dreg:$0x1a] =	wrdreg s21  }
0x20: {  	s23 =	sadd.s32 $0xA7EC, s22;
	s24 =	sadd.s32 $0xAF8E, s22;
	s25 =	sshrl.u32 s0, $0x1  }
0x21: {  	s26 =	sadd.s32 $0xB730, s22;
	s6 =	simm.s32 $0x400;
	s16 =	simm.s32 $0x2  }
0x22: {  	s7 =	simm.s32 $0x1;
	s5 =	simm.s32 $0x80;
	s10 =	simm.s32 $0x100  }
0x23: {  	s11 =	simm.s32 $0x500;
	s12 =	simm.s32 $0x180;
	s0 =	ssub.s32 s0, s25  }
0x24: {  	s13 =	simm.s32 $0x580;
	s14 =	simm.s32 $0x200;
	s0 =	smax.u32 s0, $0x1  }
0x25: {  	s15 =	simm.s32 $0x600;
	s17 =	simm.s32 $0x280;
	p1 =	sne.s32 s0, $0x1  }
.Ltmp0:
0x26: {  	s18 =	simm.s32 $0x680;
	s19 =	simm.s32 $0x300;
	(pc) =	sbr.rel @!p1 .LBB2_1-.Ltmp0, $4  }
0x27: {  	s20 =	simm.s32 $0x700;
	s21 =	simm.s32 $0x380;
	[dreg:$0x1b] =	wrdreg s23  }
0x28: {  	s9 =	simm.s32 $0x780;
	s4 =	simm.s32 $0x3;
	[dreg:$0x1c] =	wrdreg s24  }
0x29: {  	[dreg:$0x1d] =	wrdreg s26;
	s23 =	sadd.s32 $0xBED2, s22;
	s24 =	sadd.s32 $0xC674, s22  }
0x2a: {  	s25 =	sadd.s32 $0xCE16, s22;
	s26 =	sadd.s32 $0xD5B8, s22;
	s0 =	sadd.s32 $0xFFFFFFFF, s0  }
0x2b: {  	[tilespmem:s31], [sflag:$0x2] =	stream.linear.gather [hbm4b:s1+s3], $0x3D80, $0x38;
	[tilespmem:$0x4580] =	vst v63  }
0x2c: {  	s8 =	smov.u32 s0;
	s0 =	rddreg [dreg:$0x4]  }
0x2d: {  	[tilespmem:s3], [sflag:$0x1] =	stream.linear.gather [hbm4b:s0+s3], $0x400, $0x38;
	[tilespmem:$0x4580] =	vst v63  }
0x2e: {  	s1 =	rddreg [dreg:$0x5]  }
0x2f: {  	[tilespmem:s6], [sflag:$0x1] =	stream.linear.gather [hbm4b:s1+s3], $0x400, $0x38;
	[tilespmem:$0x4580] =	vst v63  }
0x30: {  	_ =	swait.ge [sflag:s16], $0x3D80  }
0x31: {  	[sflag:s16] =	ssyncset.done $0x0  }
0x32: {  	[sflag:s16] =	ssyncadd.s32 $0xFFFFC280  }
0x33: {  	[hbm4b:s22+s3] =	stream.linear.scatter [tilespmem:s31], [sflag:$0x2], $0x3D10, $0x38;
	[tilespmem:$0x4580] =	vst v63  }
0x34: {  	s0 =	rddreg [dreg:$0x6]  }
0x35: {  	[hbm4b:s0+s3] =	stream.linear.scatter [tilespmem:s31], [sflag:$0x2], $0x3D10, $0x38;
	[tilespmem:$0x4580] =	vst v63  }
0x36: {  	s1 =	rddreg [dreg:$0x7]  }
0x37: {  	[hbm4b:s1+s3] =	stream.linear.scatter [tilespmem:s31], [sflag:$0x2], $0x3D10, $0x38;
	[tilespmem:$0x4580] =	vst v63  }
0x38: {  	s0 =	rddreg [dreg:$0x8]  }
0x39: {  	[hbm4b:s0+s3] =	stream.linear.scatter [tilespmem:s31], [sflag:$0x2], $0x3D10, $0x38;
	[tilespmem:$0x4580] =	vst v63  }
0x3a: {  	s1 =	rddreg [dreg:$0x9]  }
0x3b: {  	[hbm4b:s1+s3] =	stream.linear.scatter [tilespmem:s31], [sflag:$0x2], $0x3D10, $0x38;
	[tilespmem:$0x4580] =	vst v63  }
0x3c: {  	s0 =	rddreg [dreg:$0xa]  }
0x3d: {  	[hbm4b:s0+s3] =	stream.linear.scatter [tilespmem:s31], [sflag:$0x2], $0x3D10, $0x38;
	[tilespmem:$0x4580] =	vst v63  }
0x3e: {  	s1 =	rddreg [dreg:$0xb]  }
0x3f: {  	[hbm4b:s1+s3] =	stream.linear.scatter [tilespmem:s31], [sflag:$0x2], $0x3D10, $0x38;
	[tilespmem:$0x4580] =	vst v63  }
0x40: {  	s0 =	rddreg [dreg:$0xc]  }
0x41: {  	[hbm4b:s0+s3] =	stream.linear.scatter [tilespmem:s31], [sflag:$0x2], $0x3D10, $0x38;
	[tilespmem:$0x4580] =	vst v63  }
0x42: {  	s1 =	rddreg [dreg:$0xd]  }
0x43: {  	[hbm4b:s1+s3] =	stream.linear.scatter [tilespmem:s31], [sflag:$0x2], $0x3D10, $0x38;
	[tilespmem:$0x4580] =	vst v63  }
0x44: {  	s0 =	rddreg [dreg:$0xe]  }
0x45: {  	[hbm4b:s0+s3] =	stream.linear.scatter [tilespmem:s31], [sflag:$0x2], $0x3D10, $0x38;
	[tilespmem:$0x4580] =	vst v63  }
0x46: {  	s1 =	rddreg [dreg:$0xf]  }
0x47: {  	[hbm4b:s1+s3] =	stream.linear.scatter [tilespmem:s31], [sflag:$0x2], $0x3D10, $0x38;
	[tilespmem:$0x4580] =	vst v63  }
0x48: {  	s0 =	rddreg [dreg:$0x10]  }
0x49: {  	[hbm4b:s0+s3] =	stream.linear.scatter [tilespmem:s31], [sflag:$0x2], $0x3D10, $0x38;
	[tilespmem:$0x4580] =	vst v63  }
0x4a: {  	s1 =	rddreg [dreg:$0x11]  }
0x4b: {  	[hbm4b:s1+s3] =	stream.linear.scatter [tilespmem:s31], [sflag:$0x2], $0x3D10, $0x38;
	[tilespmem:$0x4580] =	vst v63  }
0x4c: {  	s0 =	rddreg [dreg:$0x12]  }
0x4d: {  	[hbm4b:s0+s3] =	stream.linear.scatter [tilespmem:s31], [sflag:$0x2], $0x3D10, $0x38;
	[tilespmem:$0x4580] =	vst v63  }
0x4e: {  	s1 =	rddreg [dreg:$0x13]  }
0x4f: {  	[hbm4b:s1+s3] =	stream.linear.scatter [tilespmem:s31], [sflag:$0x2], $0x3D10, $0x38;
	[tilespmem:$0x4580] =	vst v63  }
0x50: {  	s0 =	rddreg [dreg:$0x14]  }
0x51: {  	[hbm4b:s0+s3] =	stream.linear.scatter [tilespmem:s31], [sflag:$0x2], $0x3D10, $0x38;
	[tilespmem:$0x4580] =	vst v63  }
0x52: {  	s1 =	rddreg [dreg:$0x15]  }
0x53: {  	[hbm4b:s1+s3] =	stream.linear.scatter [tilespmem:s31], [sflag:$0x2], $0x3D10, $0x38;
	[tilespmem:$0x4580] =	vst v63  }
0x54: {  	s0 =	rddreg [dreg:$0x16]  }
0x55: {  	[hbm4b:s0+s3] =	stream.linear.scatter [tilespmem:s31], [sflag:$0x2], $0x3D10, $0x38;
	[tilespmem:$0x4580] =	vst v63  }
0x56: {  	s1 =	rddreg [dreg:$0x17]  }
0x57: {  	[hbm4b:s1+s3] =	stream.linear.scatter [tilespmem:s31], [sflag:$0x2], $0x3D10, $0x38;
	[tilespmem:$0x4580] =	vst v63  }
0x58: {  	s0 =	rddreg [dreg:$0x18]  }
0x59: {  	[hbm4b:s0+s3] =	stream.linear.scatter [tilespmem:s31], [sflag:$0x2], $0x3D10, $0x38;
	[tilespmem:$0x4580] =	vst v63  }
0x5a: {  	s1 =	rddreg [dreg:$0x19]  }
0x5b: {  	[hbm4b:s1+s3] =	stream.linear.scatter [tilespmem:s31], [sflag:$0x2], $0x3D10, $0x38;
	[tilespmem:$0x4580] =	vst v63  }
0x5c: {  	s0 =	rddreg [dreg:$0x1a]  }
0x5d: {  	[hbm4b:s0+s3] =	stream.linear.scatter [tilespmem:s31], [sflag:$0x2], $0x3D10, $0x38;
	[tilespmem:$0x4580] =	vst v63  }
0x5e: {  	s1 =	rddreg [dreg:$0x1b]  }
0x5f: {  	[hbm4b:s1+s3] =	stream.linear.scatter [tilespmem:s31], [sflag:$0x2], $0x3D10, $0x38;
	[tilespmem:$0x4580] =	vst v63  }
0x60: {  	s0 =	rddreg [dreg:$0x1c]  }
0x61: {  	[hbm4b:s0+s3] =	stream.linear.scatter [tilespmem:s31], [sflag:$0x2], $0x3D10, $0x38;
	[tilespmem:$0x4580] =	vst v63  }
0x62: {  	s1 =	rddreg [dreg:$0x1d]  }
0x63: {  	[hbm4b:s1+s3] =	stream.linear.scatter [tilespmem:s31], [sflag:$0x2], $0x3D10, $0x38;
	[tilespmem:$0x4580] =	vst v63  }
0x64: {  	_ = 	snop  }
0x65: {  	[hbm4b:s23+s3] =	stream.linear.scatter [tilespmem:s31], [sflag:$0x2], $0x3D10, $0x38;
	[tilespmem:$0x4580] =	vst v63  }
0x66: {  	_ = 	snop  }
0x67: {  	[hbm4b:s24+s3] =	stream.linear.scatter [tilespmem:s31], [sflag:$0x2], $0x3D10, $0x38;
	[tilespmem:$0x4580] =	vst v63  }
0x68: {  	_ = 	snop  }
0x69: {  	[hbm4b:s25+s3] =	stream.linear.scatter [tilespmem:s31], [sflag:$0x2], $0x3D10, $0x38;
	[tilespmem:$0x4580] =	vst v63  }
0x6a: {  	_ = 	snop  }
0x6b: {  	[hbm4b:s26+s3] =	stream.linear.scatter [tilespmem:s31], [sflag:$0x2], $0x3D10, $0x38;
	[tilespmem:$0x4580] =	vst v63  }
0x6c: {  	_ = 	snop  }
0x6d: {  	[hbm4b:s28+s3] =	stream.linear.scatter [tilespmem:s31], [sflag:$0x2], $0x3D10, $0x38;
	[tilespmem:$0x4580] =	vst v63  }
0x6e: {  	_ = 	snop  }
0x6f: {  	[hbm4b:s29+s3] =	stream.linear.scatter [tilespmem:s31], [sflag:$0x2], $0x3D10, $0x38;
	[tilespmem:$0x4580] =	vst v63  }
0x70: {  	_ = 	snop  }
0x71: {  	[hbm4b:s30+s3] =	stream.linear.scatter [tilespmem:s31], [sflag:$0x2], $0x3D10, $0x38;
	[tilespmem:$0x4580] =	vst v63  }
0x72: {  	_ =	swait.ge [sflag:s16], $0x3D10  }
0x73: {  	[sflag:s16] =	ssyncset.done $0x0  }
0x74: {  	[sflag:s16] =	ssyncadd.s32 $0xFFFFC2F0  }
0x75: {  	_ =	swait.ge [sflag:s16], $0x3D10  }
0x76: {  	[sflag:s16] =	ssyncset.done $0x0  }
0x77: {  	[sflag:s16] =	ssyncadd.s32 $0xFFFFC2F0  }
0x78: {  	_ =	swait.ge [sflag:s16], $0x3D10  }
0x79: {  	[sflag:s16] =	ssyncset.done $0x0  }
0x7a: {  	[sflag:s16] =	ssyncadd.s32 $0xFFFFC2F0  }
0x7b: {  	_ =	swait.ge [sflag:s16], $0x3D10  }
0x7c: {  	[sflag:s16] =	ssyncset.done $0x0  }
0x7d: {  	[sflag:s16] =	ssyncadd.s32 $0xFFFFC2F0  }
0x7e: {  	_ =	swait.ge [sflag:s16], $0x3D10  }
0x7f: {  	[sflag:s16] =	ssyncset.done $0x0  }
0x80: {  	[sflag:s16] =	ssyncadd.s32 $0xFFFFC2F0  }
0x81: {  	_ =	swait.ge [sflag:s16], $0x3D10  }
0x82: {  	[sflag:s16] =	ssyncset.done $0x0  }
0x83: {  	[sflag:s16] =	ssyncadd.s32 $0xFFFFC2F0  }
0x84: {  	_ =	swait.ge [sflag:s16], $0x3D10  }
0x85: {  	[sflag:s16] =	ssyncset.done $0x0  }
0x86: {  	[sflag:s16] =	ssyncadd.s32 $0xFFFFC2F0  }
0x87: {  	_ =	swait.ge [sflag:s16], $0x3D10  }
0x88: {  	[sflag:s16] =	ssyncset.done $0x0  }
0x89: {  	[sflag:s16] =	ssyncadd.s32 $0xFFFFC2F0  }
0x8a: {  	_ =	swait.ge [sflag:s16], $0x3D10  }
0x8b: {  	[sflag:s16] =	ssyncset.done $0x0  }
0x8c: {  	[sflag:s16] =	ssyncadd.s32 $0xFFFFC2F0  }
0x8d: {  	_ =	swait.ge [sflag:s16], $0x3D10  }
0x8e: {  	[sflag:s16] =	ssyncset.done $0x0  }
0x8f: {  	[sflag:s16] =	ssyncadd.s32 $0xFFFFC2F0  }
0x90: {  	_ =	swait.ge [sflag:s16], $0x3D10  }
0x91: {  	[sflag:s16] =	ssyncset.done $0x0  }
0x92: {  	[sflag:s16] =	ssyncadd.s32 $0xFFFFC2F0  }
0x93: {  	_ =	swait.ge [sflag:s16], $0x3D10  }
0x94: {  	[sflag:s16] =	ssyncset.done $0x0  }
0x95: {  	[sflag:s16] =	ssyncadd.s32 $0xFFFFC2F0  }
0x96: {  	_ =	swait.ge [sflag:s16], $0x3D10  }
0x97: {  	[sflag:s16] =	ssyncset.done $0x0  }
0x98: {  	[sflag:s16] =	ssyncadd.s32 $0xFFFFC2F0  }
0x99: {  	_ =	swait.ge [sflag:s16], $0x3D10  }
0x9a: {  	[sflag:s16] =	ssyncset.done $0x0  }
0x9b: {  	[sflag:s16] =	ssyncadd.s32 $0xFFFFC2F0  }
0x9c: {  	_ =	swait.ge [sflag:s16], $0x3D10  }
0x9d: {  	[sflag:s16] =	ssyncset.done $0x0  }
0x9e: {  	[sflag:s16] =	ssyncadd.s32 $0xFFFFC2F0  }
0x9f: {  	_ =	swait.ge [sflag:s16], $0x3D10  }
0xa0: {  	[sflag:s16] =	ssyncset.done $0x0  }
0xa1: {  	[sflag:s16] =	ssyncadd.s32 $0xFFFFC2F0  }
0xa2: {  	_ =	swait.ge [sflag:s16], $0x3D10  }
0xa3: {  	[sflag:s16] =	ssyncset.done $0x0  }
0xa4: {  	[sflag:s16] =	ssyncadd.s32 $0xFFFFC2F0  }
0xa5: {  	_ =	swait.ge [sflag:s16], $0x3D10  }
0xa6: {  	[sflag:s16] =	ssyncset.done $0x0  }
0xa7: {  	[sflag:s16] =	ssyncadd.s32 $0xFFFFC2F0  }
0xa8: {  	_ =	swait.ge [sflag:s16], $0x3D10  }
0xa9: {  	[sflag:s16] =	ssyncset.done $0x0  }
0xaa: {  	[sflag:s16] =	ssyncadd.s32 $0xFFFFC2F0  }
0xab: {  	_ =	swait.ge [sflag:s16], $0x3D10  }
0xac: {  	[sflag:s16] =	ssyncset.done $0x0  }
0xad: {  	[sflag:s16] =	ssyncadd.s32 $0xFFFFC2F0  }
0xae: {  	_ =	swait.ge [sflag:s16], $0x3D10  }
0xaf: {  	[sflag:s16] =	ssyncset.done $0x0  }
0xb0: {  	[sflag:s16] =	ssyncadd.s32 $0xFFFFC2F0  }
0xb1: {  	_ =	swait.ge [sflag:s16], $0x3D10  }
0xb2: {  	[sflag:s16] =	ssyncset.done $0x0  }
0xb3: {  	[sflag:s16] =	ssyncadd.s32 $0xFFFFC2F0  }
0xb4: {  	_ =	swait.ge [sflag:s16], $0x3D10  }
0xb5: {  	[sflag:s16] =	ssyncset.done $0x0  }
0xb6: {  	[sflag:s16] =	ssyncadd.s32 $0xFFFFC2F0  }
0xb7: {  	_ =	swait.ge [sflag:s16], $0x3D10  }
0xb8: {  	[sflag:s16] =	ssyncset.done $0x0  }
0xb9: {  	[sflag:s16] =	ssyncadd.s32 $0xFFFFC2F0  }
0xba: {  	_ =	swait.ge [sflag:s16], $0x3D10  }
0xbb: {  	[sflag:s16] =	ssyncset.done $0x0  }
0xbc: {  	[sflag:s16] =	ssyncadd.s32 $0xFFFFC2F0  }
0xbd: {  	_ =	swait.ge [sflag:s16], $0x3D10  }
0xbe: {  	[sflag:s16] =	ssyncset.done $0x0  }
0xbf: {  	[sflag:s16] =	ssyncadd.s32 $0xFFFFC2F0  }
0xc0: {  	_ =	swait.ge [sflag:s16], $0x3D10  }
0xc1: {  	[sflag:s16] =	ssyncset.done $0x0  }
0xc2: {  	[sflag:s16] =	ssyncadd.s32 $0xFFFFC2F0  }
0xc3: {  	_ =	swait.ge [sflag:s16], $0x3D10  }
0xc4: {  	[sflag:s16] =	ssyncset.done $0x0  }
0xc5: {  	[sflag:s16] =	ssyncadd.s32 $0xFFFFC2F0  }
0xc6: {  	_ =	swait.ge [sflag:s16], $0x3D10  }
0xc7: {  	[sflag:s16] =	ssyncset.done $0x0  }
0xc8: {  	[sflag:s16] =	ssyncadd.s32 $0xFFFFC2F0  }
0xc9: {  	_ =	swait.ge [sflag:s16], $0x3D10  }
0xca: {  	[sflag:s16] =	ssyncset.done $0x0  }
0xcb: {  	[sflag:s16] =	ssyncadd.s32 $0xFFFFC2F0  }
0xcc: {  	_ =	swait.ge [sflag:s16], $0x3D10  }
0xcd: {  	[sflag:s16] =	ssyncset.done $0x0  }
0xce: {  	[sflag:s16] =	ssyncadd.s32 $0xFFFFC2F0  }
0xcf: {  	_ =	swait.ge [sflag:s16], $0x3D10  }
0xd0: {  	[sflag:s16] =	ssyncset.done $0x0  }
0xd1: {  	[sflag:s16] =	ssyncadd.s32 $0xFFFFC2F0  }
0xd2: {  	[bflag:$0x0] =	sbarrier.arrive $0xFFFF  }
0xd3: {  	_ =	swait.ge [sflag:s7], $0x400  }
0xd4: {  	[sflag:s7] =	ssyncset.done $0x0  }
0xd5: {  	[sflag:s7] =	ssyncadd.s32 $0xFFFFFC00  }
0xd6: {  	_ =	swait.ge [sflag:s7], $0x400  }
0xd7: {  	[sflag:s7] =	ssyncset.done $0x0  }
0xd8: {  	[sflag:s7] =	ssyncadd.s32 $0xFFFFFC00  }
0xd9: {  	[hbm4b:s2+s5] =	stream.indirect.scatter [tilespmem:s6], [sflag:$0x3], $0x1, s3, s5, $0xb8;
	[tilespmem:$0x4580] =	vst v63  }
0xda: {  	s1 =	simm.s32 $0x480  }
0xdb: {  	[hbm4b:s2+s5] =	stream.indirect.scatter [tilespmem:s1], [sflag:$0x3], $0x1, s5, s5, $0xb8;
	[tilespmem:$0x4580] =	vst v63  }
0xdc: {  	_ = 	snop  }
0xdd: {  	[hbm4b:s2+s5] =	stream.indirect.scatter [tilespmem:s11], [sflag:$0x3], $0x1, s10, s5, $0xb8;
	[tilespmem:$0x4580] =	vst v63  }
0xde: {  	_ = 	snop  }
0xdf: {  	[hbm4b:s2+s5] =	stream.indirect.scatter [tilespmem:s13], [sflag:$0x3], $0x1, s12, s5, $0xb8;
	[tilespmem:$0x4580] =	vst v63  }
0xe0: {  	_ = 	snop  }
0xe1: {  	[hbm4b:s2+s5] =	stream.indirect.scatter [tilespmem:s15], [sflag:$0x3], $0x1, s14, s5, $0xb8;
	[tilespmem:$0x4580] =	vst v63  }
0xe2: {  	_ = 	snop  }
0xe3: {  	[hbm4b:s2+s5] =	stream.indirect.scatter [tilespmem:s18], [sflag:$0x3], $0x1, s17, s5, $0xb8;
	[tilespmem:$0x4580] =	vst v63  }
0xe4: {  	_ = 	snop  }
0xe5: {  	[hbm4b:s2+s5] =	stream.indirect.scatter [tilespmem:s20], [sflag:$0x3], $0x1, s19, s5, $0xb8;
	[tilespmem:$0x4580] =	vst v63  }
0xe6: {  	_ = 	snop  }
0xe7: {  	[hbm4b:s2+s5] =	stream.indirect.scatter [tilespmem:s9], [sflag:$0x3], $0x1, s21, s5, $0xb8;
	[tilespmem:$0x4580] =	vst v63  }
0xe8: {  	_ =	swait.ge [sflag:s4], $0x80  }
0xe9: {  	[sflag:s4] =	ssyncset.done $0x0  }
0xea: {  	[sflag:s4] =	ssyncadd.s32 $0xFFFFFF80  }
0xeb: {  	_ =	swait.ge [sflag:s4], $0x80  }
0xec: {  	[sflag:s4] =	ssyncset.done $0x0  }
0xed: {  	[sflag:s4] =	ssyncadd.s32 $0xFFFFFF80  }
0xee: {  	_ =	swait.ge [sflag:s4], $0x80  }
0xef: {  	[sflag:s4] =	ssyncset.done $0x0  }
0xf0: {  	[sflag:s4] =	ssyncadd.s32 $0xFFFFFF80  }
0xf1: {  	_ =	swait.ge [sflag:s4], $0x80  }
0xf2: {  	[sflag:s4] =	ssyncset.done $0x0  }
0xf3: {  	[sflag:s4] =	ssyncadd.s32 $0xFFFFFF80  }
0xf4: {  	_ =	swait.ge [sflag:s4], $0x80  }
0xf5: {  	[sflag:s4] =	ssyncset.done $0x0  }
0xf6: {  	[sflag:s4] =	ssyncadd.s32 $0xFFFFFF80  }
0xf7: {  	_ =	swait.ge [sflag:s4], $0x80  }
0xf8: {  	[sflag:s4] =	ssyncset.done $0x0  }
0xf9: {  	p1 =	sne.s32 s8, $0x1;
	[sflag:s4] =	ssyncadd.s32 $0xFFFFFF80  }
.Ltmp1:
0xfa: {  	_ =	swait.ge [sflag:s4], $0x80;
	(pc) =	sbr.rel @!p1 .LBB2_3-.Ltmp1, $4  }
0xfb: {  	[sflag:s4] =	ssyncset.done $0x0  }
0xfc: {  	[sflag:s4] =	ssyncadd.s32 $0xFFFFFF80  }
0xfd: {  	p0 =	por $0x1, $0x1;
	_ =	swait.ge [sflag:s4], $0x80  }
0xfe: {  	s0 =	sadd.s32 $0xFFFFFFFF, s8;
	s1 =	rddreg [dreg:$0x3];
	[sflag:s4] =	ssyncset.done $0x0  }
.LBB2_4:
0xff: {  	[sflag:s4] =	ssyncadd.s32 $0xFFFFFF80  }
0x100: {  	[tilespmem:s31], [sflag:$0x2] =	stream.linear.gather [hbm4b:s1+s3], $0x3D80, $0x38;
	[tilespmem:$0x4580] =	vst v63  }
0x101: {  	s8 =	rddreg [dreg:$0x4]  }
0x102: {  	[tilespmem:s3], [sflag:$0x1] =	stream.linear.gather [hbm4b:s8+s3], $0x400, $0x38;
	[tilespmem:$0x4580] =	vst v63  }
0x103: {  	s1 =	rddreg [dreg:$0x5]  }
0x104: {  	[tilespmem:s6], [sflag:$0x1] =	stream.linear.gather [hbm4b:s1+s3], $0x400, $0x38;
	[tilespmem:$0x4580] =	vst v63  }
0x105: {  	_ =	swait.ge [sflag:s16], $0x3D80  }
0x106: {  	[sflag:s16] =	ssyncset.done $0x0  }
0x107: {  	[sflag:s16] =	ssyncadd.s32 $0xFFFFC280  }
0x108: {  	[hbm4b:s22+s3] =	stream.linear.scatter [tilespmem:s31], [sflag:$0x2], $0x3D10, $0x38;
	[tilespmem:$0x4580] =	vst v63  }
0x109: {  	s1 =	rddreg [dreg:$0x6]  }
0x10a: {  	[hbm4b:s1+s3] =	stream.linear.scatter [tilespmem:s31], [sflag:$0x2], $0x3D10, $0x38;
	[tilespmem:$0x4580] =	vst v63  }
0x10b: {  	s8 =	rddreg [dreg:$0x7]  }
0x10c: {  	[hbm4b:s8+s3] =	stream.linear.scatter [tilespmem:s31], [sflag:$0x2], $0x3D10, $0x38;
	[tilespmem:$0x4580] =	vst v63  }
0x10d: {  	s1 =	rddreg [dreg:$0x8]  }
0x10e: {  	[hbm4b:s1+s3] =	stream.linear.scatter [tilespmem:s31], [sflag:$0x2], $0x3D10, $0x38;
	[tilespmem:$0x4580] =	vst v63  }
0x10f: {  	s8 =	rddreg [dreg:$0x9]  }
0x110: {  	[hbm4b:s8+s3] =	stream.linear.scatter [tilespmem:s31], [sflag:$0x2], $0x3D10, $0x38;
	[tilespmem:$0x4580] =	vst v63  }
0x111: {  	s1 =	rddreg [dreg:$0xa]  }
0x112: {  	[hbm4b:s1+s3] =	stream.linear.scatter [tilespmem:s31], [sflag:$0x2], $0x3D10, $0x38;
	[tilespmem:$0x4580] =	vst v63  }
0x113: {  	s8 =	rddreg [dreg:$0xb]  }
0x114: {  	[hbm4b:s8+s3] =	stream.linear.scatter [tilespmem:s31], [sflag:$0x2], $0x3D10, $0x38;
	[tilespmem:$0x4580] =	vst v63  }
0x115: {  	s1 =	rddreg [dreg:$0xc]  }
0x116: {  	[hbm4b:s1+s3] =	stream.linear.scatter [tilespmem:s31], [sflag:$0x2], $0x3D10, $0x38;
	[tilespmem:$0x4580] =	vst v63  }
0x117: {  	s8 =	rddreg [dreg:$0xd]  }
0x118: {  	[hbm4b:s8+s3] =	stream.linear.scatter [tilespmem:s31], [sflag:$0x2], $0x3D10, $0x38;
	[tilespmem:$0x4580] =	vst v63  }
0x119: {  	s1 =	rddreg [dreg:$0xe]  }
0x11a: {  	[hbm4b:s1+s3] =	stream.linear.scatter [tilespmem:s31], [sflag:$0x2], $0x3D10, $0x38;
	[tilespmem:$0x4580] =	vst v63  }
0x11b: {  	s8 =	rddreg [dreg:$0xf]  }
0x11c: {  	[hbm4b:s8+s3] =	stream.linear.scatter [tilespmem:s31], [sflag:$0x2], $0x3D10, $0x38;
	[tilespmem:$0x4580] =	vst v63  }
0x11d: {  	s1 =	rddreg [dreg:$0x10]  }
0x11e: {  	[hbm4b:s1+s3] =	stream.linear.scatter [tilespmem:s31], [sflag:$0x2], $0x3D10, $0x38;
	[tilespmem:$0x4580] =	vst v63  }
0x11f: {  	s8 =	rddreg [dreg:$0x11]  }
0x120: {  	[hbm4b:s8+s3] =	stream.linear.scatter [tilespmem:s31], [sflag:$0x2], $0x3D10, $0x38;
	[tilespmem:$0x4580] =	vst v63  }
0x121: {  	s1 =	rddreg [dreg:$0x12]  }
0x122: {  	[hbm4b:s1+s3] =	stream.linear.scatter [tilespmem:s31], [sflag:$0x2], $0x3D10, $0x38;
	[tilespmem:$0x4580] =	vst v63  }
0x123: {  	s8 =	rddreg [dreg:$0x13]  }
0x124: {  	[hbm4b:s8+s3] =	stream.linear.scatter [tilespmem:s31], [sflag:$0x2], $0x3D10, $0x38;
	[tilespmem:$0x4580] =	vst v63  }
0x125: {  	s1 =	rddreg [dreg:$0x14]  }
0x126: {  	[hbm4b:s1+s3] =	stream.linear.scatter [tilespmem:s31], [sflag:$0x2], $0x3D10, $0x38;
	[tilespmem:$0x4580] =	vst v63  }
0x127: {  	s8 =	rddreg [dreg:$0x15]  }
0x128: {  	[hbm4b:s8+s3] =	stream.linear.scatter [tilespmem:s31], [sflag:$0x2], $0x3D10, $0x38;
	[tilespmem:$0x4580] =	vst v63  }
0x129: {  	s1 =	rddreg [dreg:$0x16]  }
0x12a: {  	[hbm4b:s1+s3] =	stream.linear.scatter [tilespmem:s31], [sflag:$0x2], $0x3D10, $0x38;
	[tilespmem:$0x4580] =	vst v63  }
0x12b: {  	s8 =	rddreg [dreg:$0x17]  }
0x12c: {  	[hbm4b:s8+s3] =	stream.linear.scatter [tilespmem:s31], [sflag:$0x2], $0x3D10, $0x38;
	[tilespmem:$0x4580] =	vst v63  }
0x12d: {  	s1 =	rddreg [dreg:$0x18]  }
0x12e: {  	[hbm4b:s1+s3] =	stream.linear.scatter [tilespmem:s31], [sflag:$0x2], $0x3D10, $0x38;
	[tilespmem:$0x4580] =	vst v63  }
0x12f: {  	s8 =	rddreg [dreg:$0x19]  }
0x130: {  	[hbm4b:s8+s3] =	stream.linear.scatter [tilespmem:s31], [sflag:$0x2], $0x3D10, $0x38;
	[tilespmem:$0x4580] =	vst v63  }
0x131: {  	s1 =	rddreg [dreg:$0x1a]  }
0x132: {  	[hbm4b:s1+s3] =	stream.linear.scatter [tilespmem:s31], [sflag:$0x2], $0x3D10, $0x38;
	[tilespmem:$0x4580] =	vst v63  }
0x133: {  	s8 =	rddreg [dreg:$0x1b]  }
0x134: {  	[hbm4b:s8+s3] =	stream.linear.scatter [tilespmem:s31], [sflag:$0x2], $0x3D10, $0x38;
	[tilespmem:$0x4580] =	vst v63  }
0x135: {  	s1 =	rddreg [dreg:$0x1c]  }
0x136: {  	[hbm4b:s1+s3] =	stream.linear.scatter [tilespmem:s31], [sflag:$0x2], $0x3D10, $0x38;
	[tilespmem:$0x4580] =	vst v63  }
0x137: {  	s8 =	rddreg [dreg:$0x1d]  }
0x138: {  	[hbm4b:s8+s3] =	stream.linear.scatter [tilespmem:s31], [sflag:$0x2], $0x3D10, $0x38;
	[tilespmem:$0x4580] =	vst v63  }
0x139: {  	_ = 	snop  }
0x13a: {  	[hbm4b:s23+s3] =	stream.linear.scatter [tilespmem:s31], [sflag:$0x2], $0x3D10, $0x38;
	[tilespmem:$0x4580] =	vst v63  }
0x13b: {  	_ = 	snop  }
0x13c: {  	[hbm4b:s24+s3] =	stream.linear.scatter [tilespmem:s31], [sflag:$0x2], $0x3D10, $0x38;
	[tilespmem:$0x4580] =	vst v63  }
0x13d: {  	_ = 	snop  }
0x13e: {  	[hbm4b:s25+s3] =	stream.linear.scatter [tilespmem:s31], [sflag:$0x2], $0x3D10, $0x38;
	[tilespmem:$0x4580] =	vst v63  }
0x13f: {  	_ = 	snop  }
0x140: {  	[hbm4b:s26+s3] =	stream.linear.scatter [tilespmem:s31], [sflag:$0x2], $0x3D10, $0x38;
	[tilespmem:$0x4580] =	vst v63  }
0x141: {  	_ = 	snop  }
0x142: {  	[hbm4b:s28+s3] =	stream.linear.scatter [tilespmem:s31], [sflag:$0x2], $0x3D10, $0x38;
	[tilespmem:$0x4580] =	vst v63  }
0x143: {  	_ = 	snop  }
0x144: {  	[hbm4b:s29+s3] =	stream.linear.scatter [tilespmem:s31], [sflag:$0x2], $0x3D10, $0x38;
	[tilespmem:$0x4580] =	vst v63  }
0x145: {  	_ = 	snop  }
0x146: {  	[hbm4b:s30+s3] =	stream.linear.scatter [tilespmem:s31], [sflag:$0x2], $0x3D10, $0x38;
	[tilespmem:$0x4580] =	vst v63  }
0x147: {  	_ =	swait.ge [sflag:s16], $0x3D10  }
0x148: {  	[sflag:s16] =	ssyncset.done $0x0  }
0x149: {  	[sflag:s16] =	ssyncadd.s32 $0xFFFFC2F0  }
0x14a: {  	_ =	swait.ge [sflag:s16], $0x3D10  }
0x14b: {  	[sflag:s16] =	ssyncset.done $0x0  }
0x14c: {  	[sflag:s16] =	ssyncadd.s32 $0xFFFFC2F0  }
0x14d: {  	_ =	swait.ge [sflag:s16], $0x3D10  }
0x14e: {  	[sflag:s16] =	ssyncset.done $0x0  }
0x14f: {  	[sflag:s16] =	ssyncadd.s32 $0xFFFFC2F0  }
0x150: {  	_ =	swait.ge [sflag:s16], $0x3D10  }
0x151: {  	[sflag:s16] =	ssyncset.done $0x0  }
0x152: {  	[sflag:s16] =	ssyncadd.s32 $0xFFFFC2F0  }
0x153: {  	_ =	swait.ge [sflag:s16], $0x3D10  }
0x154: {  	[sflag:s16] =	ssyncset.done $0x0  }
0x155: {  	[sflag:s16] =	ssyncadd.s32 $0xFFFFC2F0  }
0x156: {  	_ =	swait.ge [sflag:s16], $0x3D10  }
0x157: {  	[sflag:s16] =	ssyncset.done $0x0  }
0x158: {  	[sflag:s16] =	ssyncadd.s32 $0xFFFFC2F0  }
0x159: {  	_ =	swait.ge [sflag:s16], $0x3D10  }
0x15a: {  	[sflag:s16] =	ssyncset.done $0x0  }
0x15b: {  	[sflag:s16] =	ssyncadd.s32 $0xFFFFC2F0  }
0x15c: {  	_ =	swait.ge [sflag:s16], $0x3D10  }
0x15d: {  	[sflag:s16] =	ssyncset.done $0x0  }
0x15e: {  	[sflag:s16] =	ssyncadd.s32 $0xFFFFC2F0  }
0x15f: {  	_ =	swait.ge [sflag:s16], $0x3D10  }
0x160: {  	[sflag:s16] =	ssyncset.done $0x0  }
0x161: {  	[sflag:s16] =	ssyncadd.s32 $0xFFFFC2F0  }
0x162: {  	_ =	swait.ge [sflag:s16], $0x3D10  }
0x163: {  	[sflag:s16] =	ssyncset.done $0x0  }
0x164: {  	[sflag:s16] =	ssyncadd.s32 $0xFFFFC2F0  }
0x165: {  	_ =	swait.ge [sflag:s16], $0x3D10  }
0x166: {  	[sflag:s16] =	ssyncset.done $0x0  }
0x167: {  	[sflag:s16] =	ssyncadd.s32 $0xFFFFC2F0  }
0x168: {  	_ =	swait.ge [sflag:s16], $0x3D10  }
0x169: {  	[sflag:s16] =	ssyncset.done $0x0  }
0x16a: {  	[sflag:s16] =	ssyncadd.s32 $0xFFFFC2F0  }
0x16b: {  	_ =	swait.ge [sflag:s16], $0x3D10  }
0x16c: {  	[sflag:s16] =	ssyncset.done $0x0  }
0x16d: {  	[sflag:s16] =	ssyncadd.s32 $0xFFFFC2F0  }
0x16e: {  	_ =	swait.ge [sflag:s16], $0x3D10  }
0x16f: {  	[sflag:s16] =	ssyncset.done $0x0  }
0x170: {  	[sflag:s16] =	ssyncadd.s32 $0xFFFFC2F0  }
0x171: {  	_ =	swait.ge [sflag:s16], $0x3D10  }
0x172: {  	[sflag:s16] =	ssyncset.done $0x0  }
0x173: {  	[sflag:s16] =	ssyncadd.s32 $0xFFFFC2F0  }
0x174: {  	_ =	swait.ge [sflag:s16], $0x3D10  }
0x175: {  	[sflag:s16] =	ssyncset.done $0x0  }
0x176: {  	[sflag:s16] =	ssyncadd.s32 $0xFFFFC2F0  }
0x177: {  	_ =	swait.ge [sflag:s16], $0x3D10  }
0x178: {  	[sflag:s16] =	ssyncset.done $0x0  }
0x179: {  	[sflag:s16] =	ssyncadd.s32 $0xFFFFC2F0  }
0x17a: {  	_ =	swait.ge [sflag:s16], $0x3D10  }
0x17b: {  	[sflag:s16] =	ssyncset.done $0x0  }
0x17c: {  	[sflag:s16] =	ssyncadd.s32 $0xFFFFC2F0  }
0x17d: {  	_ =	swait.ge [sflag:s16], $0x3D10  }
0x17e: {  	[sflag:s16] =	ssyncset.done $0x0  }
0x17f: {  	[sflag:s16] =	ssyncadd.s32 $0xFFFFC2F0  }
0x180: {  	_ =	swait.ge [sflag:s16], $0x3D10  }
0x181: {  	[sflag:s16] =	ssyncset.done $0x0  }
0x182: {  	[sflag:s16] =	ssyncadd.s32 $0xFFFFC2F0  }
0x183: {  	_ =	swait.ge [sflag:s16], $0x3D10  }
0x184: {  	[sflag:s16] =	ssyncset.done $0x0  }
0x185: {  	[sflag:s16] =	ssyncadd.s32 $0xFFFFC2F0  }
0x186: {  	_ =	swait.ge [sflag:s16], $0x3D10  }
0x187: {  	[sflag:s16] =	ssyncset.done $0x0  }
0x188: {  	[sflag:s16] =	ssyncadd.s32 $0xFFFFC2F0  }
0x189: {  	_ =	swait.ge [sflag:s16], $0x3D10  }
0x18a: {  	[sflag:s16] =	ssyncset.done $0x0  }
0x18b: {  	[sflag:s16] =	ssyncadd.s32 $0xFFFFC2F0  }
0x18c: {  	_ =	swait.ge [sflag:s16], $0x3D10  }
0x18d: {  	[sflag:s16] =	ssyncset.done $0x0  }
0x18e: {  	[sflag:s16] =	ssyncadd.s32 $0xFFFFC2F0  }
0x18f: {  	_ =	swait.ge [sflag:s16], $0x3D10  }
0x190: {  	[sflag:s16] =	ssyncset.done $0x0  }
0x191: {  	[sflag:s16] =	ssyncadd.s32 $0xFFFFC2F0  }
0x192: {  	_ =	swait.ge [sflag:s16], $0x3D10  }
0x193: {  	[sflag:s16] =	ssyncset.done $0x0  }
0x194: {  	[sflag:s16] =	ssyncadd.s32 $0xFFFFC2F0  }
0x195: {  	_ =	swait.ge [sflag:s16], $0x3D10  }
0x196: {  	[sflag:s16] =	ssyncset.done $0x0  }
0x197: {  	[sflag:s16] =	ssyncadd.s32 $0xFFFFC2F0  }
0x198: {  	_ =	swait.ge [sflag:s16], $0x3D10  }
0x199: {  	[sflag:s16] =	ssyncset.done $0x0  }
0x19a: {  	[sflag:s16] =	ssyncadd.s32 $0xFFFFC2F0  }
0x19b: {  	_ =	swait.ge [sflag:s16], $0x3D10  }
0x19c: {  	[sflag:s16] =	ssyncset.done $0x0  }
0x19d: {  	[sflag:s16] =	ssyncadd.s32 $0xFFFFC2F0  }
0x19e: {  	_ =	swait.ge [sflag:s16], $0x3D10  }
0x19f: {  	[sflag:s16] =	ssyncset.done $0x0  }
0x1a0: {  	[sflag:s16] =	ssyncadd.s32 $0xFFFFC2F0  }
0x1a1: {  	_ =	swait.ge [sflag:s16], $0x3D10  }
0x1a2: {  	[sflag:s16] =	ssyncset.done $0x0  }
0x1a3: {  	[sflag:s16] =	ssyncadd.s32 $0xFFFFC2F0  }
0x1a4: {  	_ =	swait.ge [sflag:s16], $0x3D10  }
0x1a5: {  	[sflag:s16] =	ssyncset.done $0x0  }
0x1a6: {  	[sflag:s16] =	ssyncadd.s32 $0xFFFFC2F0  }
0x1a7: {  	[bflag:$0x0] =	sbarrier.arrive $0xFFFF  }
0x1a8: {  	_ =	swait.ge [sflag:s7], $0x400  }
0x1a9: {  	[sflag:s7] =	ssyncset.done $0x0  }
0x1aa: {  	[sflag:s7] =	ssyncadd.s32 $0xFFFFFC00  }
0x1ab: {  	_ =	swait.ge [sflag:s7], $0x400  }
0x1ac: {  	[sflag:s7] =	ssyncset.done $0x0  }
0x1ad: {  	[sflag:s7] =	ssyncadd.s32 $0xFFFFFC00  }
0x1ae: {  	[hbm4b:s2+s5] =	stream.indirect.scatter [tilespmem:s6], [sflag:$0x3], $0x1, s3, s5, $0xb8;
	[tilespmem:$0x4580] =	vst v63  }
0x1af: {  	s8 =	simm.s32 $0x480  }
0x1b0: {  	[hbm4b:s2+s5] =	stream.indirect.scatter [tilespmem:s8], [sflag:$0x3], $0x1, s5, s5, $0xb8;
	[tilespmem:$0x4580] =	vst v63  }
0x1b1: {  	_ = 	snop  }
0x1b2: {  	[hbm4b:s2+s5] =	stream.indirect.scatter [tilespmem:s11], [sflag:$0x3], $0x1, s10, s5, $0xb8;
	[tilespmem:$0x4580] =	vst v63  }
0x1b3: {  	_ = 	snop  }
0x1b4: {  	[hbm4b:s2+s5] =	stream.indirect.scatter [tilespmem:s13], [sflag:$0x3], $0x1, s12, s5, $0xb8;
	[tilespmem:$0x4580] =	vst v63  }
0x1b5: {  	_ = 	snop  }
0x1b6: {  	[hbm4b:s2+s5] =	stream.indirect.scatter [tilespmem:s15], [sflag:$0x3], $0x1, s14, s5, $0xb8;
	[tilespmem:$0x4580] =	vst v63  }
0x1b7: {  	_ = 	snop  }
0x1b8: {  	[hbm4b:s2+s5] =	stream.indirect.scatter [tilespmem:s18], [sflag:$0x3], $0x1, s17, s5, $0xb8;
	[tilespmem:$0x4580] =	vst v63  }
0x1b9: {  	_ = 	snop  }
0x1ba: {  	[hbm4b:s2+s5] =	stream.indirect.scatter [tilespmem:s20], [sflag:$0x3], $0x1, s19, s5, $0xb8;
	[tilespmem:$0x4580] =	vst v63  }
0x1bb: {  	_ = 	snop  }
0x1bc: {  	[hbm4b:s2+s5] =	stream.indirect.scatter [tilespmem:s9], [sflag:$0x3], $0x1, s21, s5, $0xb8;
	[tilespmem:$0x4580] =	vst v63  }
0x1bd: {  	_ =	swait.ge [sflag:s4], $0x80  }
0x1be: {  	[sflag:s4] =	ssyncset.done $0x0  }
0x1bf: {  	[sflag:s4] =	ssyncadd.s32 $0xFFFFFF80  }
0x1c0: {  	_ =	swait.ge [sflag:s4], $0x80  }
0x1c1: {  	[sflag:s4] =	ssyncset.done $0x0  }
0x1c2: {  	[sflag:s4] =	ssyncadd.s32 $0xFFFFFF80  }
0x1c3: {  	_ =	swait.ge [sflag:s4], $0x80  }
0x1c4: {  	[sflag:s4] =	ssyncset.done $0x0  }
0x1c5: {  	[sflag:s4] =	ssyncadd.s32 $0xFFFFFF80  }
0x1c6: {  	_ =	swait.ge [sflag:s4], $0x80  }
0x1c7: {  	[sflag:s4] =	ssyncset.done $0x0  }
0x1c8: {  	[sflag:s4] =	ssyncadd.s32 $0xFFFFFF80  }
0x1c9: {  	_ =	swait.ge [sflag:s4], $0x80  }
0x1ca: {  	[sflag:s4] =	ssyncset.done $0x0  }
0x1cb: {  	[sflag:s4] =	ssyncadd.s32 $0xFFFFFF80  }
0x1cc: {  	_ =	swait.ge [sflag:s4], $0x80  }
0x1cd: {  	[sflag:s4] =	ssyncset.done $0x0  }
0x1ce: {  	p1 =	sne.s32 s0, $0x1;
	[sflag:s4] =	ssyncadd.s32 $0xFFFFFF80  }
.Ltmp2:
0x1cf: {  	_ =	swait.ge [sflag:s4], $0x80;
	(pc) =	sbr.rel @p1 .LBB2_4-.Ltmp2, $4  }
0x1d0: {  	[sflag:s4] =	ssyncset.done $0x0  }
0x1d1: {  	[sflag:s4] =	ssyncadd.s32 $0xFFFFFF80  }
0x1d2: {  	_ =	swait.ge [sflag:s4], $0x80  }
0x1d3: {  	s0 =	sadd.s32 $0xFFFFFFFF, s0;
	s1 =	rddreg [dreg:$0x3];
	[sflag:s4] =	ssyncset.done $0x0  }
0x1d4: {  	s21 =	simm.s32 $0x380  }
0x1d5: {  	s20 =	simm.s32 $0x700;
	s19 =	simm.s32 $0x300;
	s18 =	simm.s32 $0x680  }
0x1d6: {  	s17 =	simm.s32 $0x280;
	s15 =	simm.s32 $0x600;
	s14 =	simm.s32 $0x200  }
0x1d7: {  	s13 =	simm.s32 $0x580;
	s12 =	simm.s32 $0x180;
	s11 =	simm.s32 $0x500  }
0x1d8: {  	s10 =	simm.s32 $0x100;
	s9 =	simm.s32 $0x480;
	s8 =	rddreg [dreg:$0x2]  }
.LBB2_6:
0x1d9: {  	[sflag:s4] =	ssyncadd.s32 @p0 $0xFFFFFF80  }
0x1da: {  	[tilespmem:s31], [sflag:$0x2] =	stream.linear.gather [hbm4b:s1+s3], $0x3D80, $0x38;
	[tilespmem:$0x4580] =	vst v63  }
0x1db: {  	s0 =	rddreg [dreg:$0x4]  }
0x1dc: {  	[tilespmem:s3], [sflag:$0x1] =	stream.linear.gather [hbm4b:s0+s3], $0x400, $0x38;
	[tilespmem:$0x4580] =	vst v63  }
0x1dd: {  	s1 =	rddreg [dreg:$0x5]  }
0x1de: {  	[tilespmem:s6], [sflag:$0x1] =	stream.linear.gather [hbm4b:s1+s3], $0x400, $0x38;
	[tilespmem:$0x4580] =	vst v63  }
0x1df: {  	_ =	swait.ge [sflag:s16], $0x3D80  }
0x1e0: {  	[sflag:s16] =	ssyncset.done $0x0  }
0x1e1: {  	[sflag:s16] =	ssyncadd.s32 $0xFFFFC280  }
0x1e2: {  	[hbm4b:s22+s3] =	stream.linear.scatter [tilespmem:s31], [sflag:$0x2], $0x3D10, $0x38;
	[tilespmem:$0x4580] =	vst v63  }
0x1e3: {  	s1 =	rddreg [dreg:$0x6]  }
0x1e4: {  	[hbm4b:s1+s3] =	stream.linear.scatter [tilespmem:s31], [sflag:$0x2], $0x3D10, $0x38;
	[tilespmem:$0x4580] =	vst v63  }
0x1e5: {  	s22 =	rddreg [dreg:$0x7]  }
0x1e6: {  	[hbm4b:s22+s3] =	stream.linear.scatter [tilespmem:s31], [sflag:$0x2], $0x3D10, $0x38;
	[tilespmem:$0x4580] =	vst v63  }
0x1e7: {  	s0 =	rddreg [dreg:$0x8]  }
0x1e8: {  	[hbm4b:s0+s3] =	stream.linear.scatter [tilespmem:s31], [sflag:$0x2], $0x3D10, $0x38;
	[tilespmem:$0x4580] =	vst v63  }
0x1e9: {  	s22 =	rddreg [dreg:$0x9]  }
0x1ea: {  	[hbm4b:s22+s3] =	stream.linear.scatter [tilespmem:s31], [sflag:$0x2], $0x3D10, $0x38;
	[tilespmem:$0x4580] =	vst v63  }
0x1eb: {  	s0 =	rddreg [dreg:$0xa]  }
0x1ec: {  	[hbm4b:s0+s3] =	stream.linear.scatter [tilespmem:s31], [sflag:$0x2], $0x3D10, $0x38;
	[tilespmem:$0x4580] =	vst v63  }
0x1ed: {  	s22 =	rddreg [dreg:$0xb]  }
0x1ee: {  	[hbm4b:s22+s3] =	stream.linear.scatter [tilespmem:s31], [sflag:$0x2], $0x3D10, $0x38;
	[tilespmem:$0x4580] =	vst v63  }
0x1ef: {  	s0 =	rddreg [dreg:$0xc]  }
0x1f0: {  	[hbm4b:s0+s3] =	stream.linear.scatter [tilespmem:s31], [sflag:$0x2], $0x3D10, $0x38;
	[tilespmem:$0x4580] =	vst v63  }
0x1f1: {  	s22 =	rddreg [dreg:$0xd]  }
0x1f2: {  	[hbm4b:s22+s3] =	stream.linear.scatter [tilespmem:s31], [sflag:$0x2], $0x3D10, $0x38;
	[tilespmem:$0x4580] =	vst v63  }
0x1f3: {  	s0 =	rddreg [dreg:$0xe]  }
0x1f4: {  	[hbm4b:s0+s3] =	stream.linear.scatter [tilespmem:s31], [sflag:$0x2], $0x3D10, $0x38;
	[tilespmem:$0x4580] =	vst v63  }
0x1f5: {  	s22 =	rddreg [dreg:$0xf]  }
0x1f6: {  	[hbm4b:s22+s3] =	stream.linear.scatter [tilespmem:s31], [sflag:$0x2], $0x3D10, $0x38;
	[tilespmem:$0x4580] =	vst v63  }
0x1f7: {  	s0 =	rddreg [dreg:$0x10]  }
0x1f8: {  	[hbm4b:s0+s3] =	stream.linear.scatter [tilespmem:s31], [sflag:$0x2], $0x3D10, $0x38;
	[tilespmem:$0x4580] =	vst v63  }
0x1f9: {  	s22 =	rddreg [dreg:$0x11]  }
0x1fa: {  	[hbm4b:s22+s3] =	stream.linear.scatter [tilespmem:s31], [sflag:$0x2], $0x3D10, $0x38;
	[tilespmem:$0x4580] =	vst v63  }
0x1fb: {  	s0 =	rddreg [dreg:$0x12]  }
0x1fc: {  	[hbm4b:s0+s3] =	stream.linear.scatter [tilespmem:s31], [sflag:$0x2], $0x3D10, $0x38;
	[tilespmem:$0x4580] =	vst v63  }
0x1fd: {  	s22 =	rddreg [dreg:$0x13]  }
0x1fe: {  	[hbm4b:s22+s3] =	stream.linear.scatter [tilespmem:s31], [sflag:$0x2], $0x3D10, $0x38;
	[tilespmem:$0x4580] =	vst v63  }
0x1ff: {  	s0 =	rddreg [dreg:$0x14]  }
0x200: {  	[hbm4b:s0+s3] =	stream.linear.scatter [tilespmem:s31], [sflag:$0x2], $0x3D10, $0x38;
	[tilespmem:$0x4580] =	vst v63  }
0x201: {  	s22 =	rddreg [dreg:$0x15]  }
0x202: {  	[hbm4b:s22+s3] =	stream.linear.scatter [tilespmem:s31], [sflag:$0x2], $0x3D10, $0x38;
	[tilespmem:$0x4580] =	vst v63  }
0x203: {  	s0 =	rddreg [dreg:$0x16]  }
0x204: {  	[hbm4b:s0+s3] =	stream.linear.scatter [tilespmem:s31], [sflag:$0x2], $0x3D10, $0x38;
	[tilespmem:$0x4580] =	vst v63  }
0x205: {  	s22 =	rddreg [dreg:$0x17]  }
0x206: {  	[hbm4b:s22+s3] =	stream.linear.scatter [tilespmem:s31], [sflag:$0x2], $0x3D10, $0x38;
	[tilespmem:$0x4580] =	vst v63  }
0x207: {  	s0 =	rddreg [dreg:$0x18]  }
0x208: {  	[hbm4b:s0+s3] =	stream.linear.scatter [tilespmem:s31], [sflag:$0x2], $0x3D10, $0x38;
	[tilespmem:$0x4580] =	vst v63  }
0x209: {  	s22 =	rddreg [dreg:$0x19]  }
0x20a: {  	[hbm4b:s22+s3] =	stream.linear.scatter [tilespmem:s31], [sflag:$0x2], $0x3D10, $0x38;
	[tilespmem:$0x4580] =	vst v63  }
0x20b: {  	s0 =	rddreg [dreg:$0x1a]  }
0x20c: {  	[hbm4b:s0+s3] =	stream.linear.scatter [tilespmem:s31], [sflag:$0x2], $0x3D10, $0x38;
	[tilespmem:$0x4580] =	vst v63  }
0x20d: {  	s22 =	rddreg [dreg:$0x1b]  }
0x20e: {  	[hbm4b:s22+s3] =	stream.linear.scatter [tilespmem:s31], [sflag:$0x2], $0x3D10, $0x38;
	[tilespmem:$0x4580] =	vst v63  }
0x20f: {  	s0 =	rddreg [dreg:$0x1c]  }
0x210: {  	[hbm4b:s0+s3] =	stream.linear.scatter [tilespmem:s31], [sflag:$0x2], $0x3D10, $0x38;
	[tilespmem:$0x4580] =	vst v63  }
0x211: {  	s22 =	rddreg [dreg:$0x1d]  }
0x212: {  	[hbm4b:s22+s3] =	stream.linear.scatter [tilespmem:s31], [sflag:$0x2], $0x3D10, $0x38;
	[tilespmem:$0x4580] =	vst v63  }
0x213: {  	_ = 	snop  }
0x214: {  	[hbm4b:s23+s3] =	stream.linear.scatter [tilespmem:s31], [sflag:$0x2], $0x3D10, $0x38;
	[tilespmem:$0x4580] =	vst v63  }
0x215: {  	_ = 	snop  }
0x216: {  	[hbm4b:s24+s3] =	stream.linear.scatter [tilespmem:s31], [sflag:$0x2], $0x3D10, $0x38;
	[tilespmem:$0x4580] =	vst v63  }
0x217: {  	_ = 	snop  }
0x218: {  	[hbm4b:s25+s3] =	stream.linear.scatter [tilespmem:s31], [sflag:$0x2], $0x3D10, $0x38;
	[tilespmem:$0x4580] =	vst v63  }
0x219: {  	_ = 	snop  }
0x21a: {  	[hbm4b:s26+s3] =	stream.linear.scatter [tilespmem:s31], [sflag:$0x2], $0x3D10, $0x38;
	[tilespmem:$0x4580] =	vst v63  }
0x21b: {  	_ = 	snop  }
0x21c: {  	[hbm4b:s28+s3] =	stream.linear.scatter [tilespmem:s31], [sflag:$0x2], $0x3D10, $0x38;
	[tilespmem:$0x4580] =	vst v63  }
0x21d: {  	_ = 	snop  }
0x21e: {  	[hbm4b:s29+s3] =	stream.linear.scatter [tilespmem:s31], [sflag:$0x2], $0x3D10, $0x38;
	[tilespmem:$0x4580] =	vst v63  }
0x21f: {  	_ = 	snop  }
0x220: {  	[hbm4b:s30+s3] =	stream.linear.scatter [tilespmem:s31], [sflag:$0x2], $0x3D10, $0x38;
	[tilespmem:$0x4580] =	vst v63  }
0x221: {  	_ =	swait.ge [sflag:s16], $0x3D10  }
0x222: {  	[sflag:s16] =	ssyncset.done $0x0  }
0x223: {  	[sflag:s16] =	ssyncadd.s32 $0xFFFFC2F0  }
0x224: {  	_ =	swait.ge [sflag:s16], $0x3D10  }
0x225: {  	[sflag:s16] =	ssyncset.done $0x0  }
0x226: {  	[sflag:s16] =	ssyncadd.s32 $0xFFFFC2F0  }
0x227: {  	_ =	swait.ge [sflag:s16], $0x3D10  }
0x228: {  	[sflag:s16] =	ssyncset.done $0x0  }
0x229: {  	[sflag:s16] =	ssyncadd.s32 $0xFFFFC2F0  }
0x22a: {  	_ =	swait.ge [sflag:s16], $0x3D10  }
0x22b: {  	[sflag:s16] =	ssyncset.done $0x0  }
0x22c: {  	[sflag:s16] =	ssyncadd.s32 $0xFFFFC2F0  }
0x22d: {  	_ =	swait.ge [sflag:s16], $0x3D10  }
0x22e: {  	[sflag:s16] =	ssyncset.done $0x0  }
0x22f: {  	[sflag:s16] =	ssyncadd.s32 $0xFFFFC2F0  }
0x230: {  	_ =	swait.ge [sflag:s16], $0x3D10  }
0x231: {  	[sflag:s16] =	ssyncset.done $0x0  }
0x232: {  	[sflag:s16] =	ssyncadd.s32 $0xFFFFC2F0  }
0x233: {  	_ =	swait.ge [sflag:s16], $0x3D10  }
0x234: {  	[sflag:s16] =	ssyncset.done $0x0  }
0x235: {  	[sflag:s16] =	ssyncadd.s32 $0xFFFFC2F0  }
0x236: {  	_ =	swait.ge [sflag:s16], $0x3D10  }
0x237: {  	[sflag:s16] =	ssyncset.done $0x0  }
0x238: {  	[sflag:s16] =	ssyncadd.s32 $0xFFFFC2F0  }
0x239: {  	_ =	swait.ge [sflag:s16], $0x3D10  }
0x23a: {  	[sflag:s16] =	ssyncset.done $0x0  }
0x23b: {  	[sflag:s16] =	ssyncadd.s32 $0xFFFFC2F0  }
0x23c: {  	_ =	swait.ge [sflag:s16], $0x3D10  }
0x23d: {  	[sflag:s16] =	ssyncset.done $0x0  }
0x23e: {  	[sflag:s16] =	ssyncadd.s32 $0xFFFFC2F0  }
0x23f: {  	_ =	swait.ge [sflag:s16], $0x3D10  }
0x240: {  	[sflag:s16] =	ssyncset.done $0x0  }
0x241: {  	[sflag:s16] =	ssyncadd.s32 $0xFFFFC2F0  }
0x242: {  	_ =	swait.ge [sflag:s16], $0x3D10  }
0x243: {  	[sflag:s16] =	ssyncset.done $0x0  }
0x244: {  	[sflag:s16] =	ssyncadd.s32 $0xFFFFC2F0  }
0x245: {  	_ =	swait.ge [sflag:s16], $0x3D10  }
0x246: {  	[sflag:s16] =	ssyncset.done $0x0  }
0x247: {  	[sflag:s16] =	ssyncadd.s32 $0xFFFFC2F0  }
0x248: {  	_ =	swait.ge [sflag:s16], $0x3D10  }
0x249: {  	[sflag:s16] =	ssyncset.done $0x0  }
0x24a: {  	[sflag:s16] =	ssyncadd.s32 $0xFFFFC2F0  }
0x24b: {  	_ =	swait.ge [sflag:s16], $0x3D10  }
0x24c: {  	[sflag:s16] =	ssyncset.done $0x0  }
0x24d: {  	[sflag:s16] =	ssyncadd.s32 $0xFFFFC2F0  }
0x24e: {  	_ =	swait.ge [sflag:s16], $0x3D10  }
0x24f: {  	[sflag:s16] =	ssyncset.done $0x0  }
0x250: {  	[sflag:s16] =	ssyncadd.s32 $0xFFFFC2F0  }
0x251: {  	_ =	swait.ge [sflag:s16], $0x3D10  }
0x252: {  	[sflag:s16] =	ssyncset.done $0x0  }
0x253: {  	[sflag:s16] =	ssyncadd.s32 $0xFFFFC2F0  }
0x254: {  	_ =	swait.ge [sflag:s16], $0x3D10  }
0x255: {  	[sflag:s16] =	ssyncset.done $0x0  }
0x256: {  	[sflag:s16] =	ssyncadd.s32 $0xFFFFC2F0  }
0x257: {  	_ =	swait.ge [sflag:s16], $0x3D10  }
0x258: {  	[sflag:s16] =	ssyncset.done $0x0  }
0x259: {  	[sflag:s16] =	ssyncadd.s32 $0xFFFFC2F0  }
0x25a: {  	_ =	swait.ge [sflag:s16], $0x3D10  }
0x25b: {  	[sflag:s16] =	ssyncset.done $0x0  }
0x25c: {  	[sflag:s16] =	ssyncadd.s32 $0xFFFFC2F0  }
0x25d: {  	_ =	swait.ge [sflag:s16], $0x3D10  }
0x25e: {  	[sflag:s16] =	ssyncset.done $0x0  }
0x25f: {  	[sflag:s16] =	ssyncadd.s32 $0xFFFFC2F0  }
0x260: {  	_ =	swait.ge [sflag:s16], $0x3D10  }
0x261: {  	[sflag:s16] =	ssyncset.done $0x0  }
0x262: {  	[sflag:s16] =	ssyncadd.s32 $0xFFFFC2F0  }
0x263: {  	_ =	swait.ge [sflag:s16], $0x3D10  }
0x264: {  	[sflag:s16] =	ssyncset.done $0x0  }
0x265: {  	[sflag:s16] =	ssyncadd.s32 $0xFFFFC2F0  }
0x266: {  	_ =	swait.ge [sflag:s16], $0x3D10  }
0x267: {  	[sflag:s16] =	ssyncset.done $0x0  }
0x268: {  	[sflag:s16] =	ssyncadd.s32 $0xFFFFC2F0  }
0x269: {  	_ =	swait.ge [sflag:s16], $0x3D10  }
0x26a: {  	[sflag:s16] =	ssyncset.done $0x0  }
0x26b: {  	[sflag:s16] =	ssyncadd.s32 $0xFFFFC2F0  }
0x26c: {  	_ =	swait.ge [sflag:s16], $0x3D10  }
0x26d: {  	[sflag:s16] =	ssyncset.done $0x0  }
0x26e: {  	[sflag:s16] =	ssyncadd.s32 $0xFFFFC2F0  }
0x26f: {  	_ =	swait.ge [sflag:s16], $0x3D10  }
0x270: {  	[sflag:s16] =	ssyncset.done $0x0  }
0x271: {  	[sflag:s16] =	ssyncadd.s32 $0xFFFFC2F0  }
0x272: {  	_ =	swait.ge [sflag:s16], $0x3D10  }
0x273: {  	[sflag:s16] =	ssyncset.done $0x0  }
0x274: {  	[sflag:s16] =	ssyncadd.s32 $0xFFFFC2F0  }
0x275: {  	_ =	swait.ge [sflag:s16], $0x3D10  }
0x276: {  	[sflag:s16] =	ssyncset.done $0x0  }
0x277: {  	[sflag:s16] =	ssyncadd.s32 $0xFFFFC2F0  }
0x278: {  	_ =	swait.ge [sflag:s16], $0x3D10  }
0x279: {  	[sflag:s16] =	ssyncset.done $0x0  }
0x27a: {  	[sflag:s16] =	ssyncadd.s32 $0xFFFFC2F0  }
0x27b: {  	_ =	swait.ge [sflag:s16], $0x3D10  }
0x27c: {  	[sflag:s16] =	ssyncset.done $0x0  }
0x27d: {  	[sflag:s16] =	ssyncadd.s32 $0xFFFFC2F0  }
0x27e: {  	_ =	swait.ge [sflag:s16], $0x3D10  }
0x27f: {  	[sflag:s16] =	ssyncset.done $0x0  }
0x280: {  	[sflag:s16] =	ssyncadd.s32 $0xFFFFC2F0  }
0x281: {  	[bflag:$0x0] =	sbarrier.arrive $0xFFFF  }
0x282: {  	_ =	swait.ge [sflag:s7], $0x400  }
0x283: {  	[sflag:s7] =	ssyncset.done $0x0  }
0x284: {  	[sflag:s7] =	ssyncadd.s32 $0xFFFFFC00  }
0x285: {  	_ =	swait.ge [sflag:s7], $0x400  }
0x286: {  	[sflag:s7] =	ssyncset.done $0x0  }
0x287: {  	[sflag:s7] =	ssyncadd.s32 $0xFFFFFC00  }
0x288: {  	[hbm4b:s2+s5] =	stream.indirect.scatter [tilespmem:s6], [sflag:$0x3], $0x1, s3, s5, $0xb8;
	[tilespmem:$0x4580] =	vst v63  }
0x289: {  	_ = 	snop  }
0x28a: {  	[hbm4b:s2+s5] =	stream.indirect.scatter [tilespmem:s9], [sflag:$0x3], $0x1, s5, s5, $0xb8;
	[tilespmem:$0x4580] =	vst v63  }
0x28b: {  	_ = 	snop  }
0x28c: {  	[hbm4b:s2+s5] =	stream.indirect.scatter [tilespmem:s11], [sflag:$0x3], $0x1, s10, s5, $0xb8;
	[tilespmem:$0x4580] =	vst v63  }
0x28d: {  	_ = 	snop  }
0x28e: {  	[hbm4b:s2+s5] =	stream.indirect.scatter [tilespmem:s13], [sflag:$0x3], $0x1, s12, s5, $0xb8;
	[tilespmem:$0x4580] =	vst v63  }
0x28f: {  	_ = 	snop  }
0x290: {  	[hbm4b:s2+s5] =	stream.indirect.scatter [tilespmem:s15], [sflag:$0x3], $0x1, s14, s5, $0xb8;
	[tilespmem:$0x4580] =	vst v63  }
0x291: {  	_ = 	snop  }
0x292: {  	[hbm4b:s2+s5] =	stream.indirect.scatter [tilespmem:s18], [sflag:$0x3], $0x1, s17, s5, $0xb8;
	[tilespmem:$0x4580] =	vst v63  }
0x293: {  	_ = 	snop  }
0x294: {  	[hbm4b:s2+s5] =	stream.indirect.scatter [tilespmem:s20], [sflag:$0x3], $0x1, s19, s5, $0xb8;
	[tilespmem:$0x4580] =	vst v63  }
0x295: {  	s30 =	simm.s32 $0x780  }
0x296: {  	[hbm4b:s2+s5] =	stream.indirect.scatter [tilespmem:s30], [sflag:$0x3], $0x1, s21, s5, $0xb8;
	[tilespmem:$0x4580] =	vst v63  }
0x297: {  	_ =	swait.ge [sflag:s4], $0x80  }
0x298: {  	[sflag:s4] =	ssyncset.done $0x0  }
0x299: {  	[sflag:s4] =	ssyncadd.s32 $0xFFFFFF80  }
0x29a: {  	_ =	swait.ge [sflag:s4], $0x80  }
0x29b: {  	[sflag:s4] =	ssyncset.done $0x0  }
0x29c: {  	[sflag:s4] =	ssyncadd.s32 $0xFFFFFF80  }
0x29d: {  	_ =	swait.ge [sflag:s4], $0x80  }
0x29e: {  	[sflag:s4] =	ssyncset.done $0x0  }
0x29f: {  	[sflag:s4] =	ssyncadd.s32 $0xFFFFFF80  }
0x2a0: {  	_ =	swait.ge [sflag:s4], $0x80  }
0x2a1: {  	[sflag:s4] =	ssyncset.done $0x0  }
0x2a2: {  	[sflag:s4] =	ssyncadd.s32 $0xFFFFFF80  }
0x2a3: {  	_ =	swait.ge [sflag:s4], $0x80  }
0x2a4: {  	[sflag:s4] =	ssyncset.done $0x0  }
0x2a5: {  	[sflag:s4] =	ssyncadd.s32 $0xFFFFFF80  }
0x2a6: {  	_ =	swait.ge [sflag:s4], $0x80  }
0x2a7: {  	[sflag:s4] =	ssyncset.done $0x0  }
0x2a8: {  	[sflag:s4] =	ssyncadd.s32 $0xFFFFFF80  }
0x2a9: {  	_ =	swait.ge [sflag:s4], $0x80  }
0x2aa: {  	[sflag:s4] =	ssyncset.done $0x0  }
0x2ab: {  	[sflag:s4] =	ssyncadd.s32 $0xFFFFFF80  }
0x2ac: {  	_ =	swait.ge [sflag:s4], $0x80  }
0x2ad: {  	[sflag:s4] =	ssyncset.done $0x0  }
0x2ae: {  	[sflag:s4] =	ssyncadd.s32 $0xFFFFFF80  }
0x2af: {  	_ =	sfence.sel $0x180000  }
0x2b0: {  	s31 =	stileid.u32;
	[bflag:$0x0] =	sbarrier.arrive $0xFFFF  }
0x2b1: {  	p0 =	sne.s32 s31, $0x0;
	_ =	strace $0x90000047  }
0x2b2: {  	s0 =	sadd.s32 @!p0 $0x100000, s8;
	[bflag:$0x2] =	sbarrier.arrive $0xFFFF  }
0x2b3: {  	[sflag:s0] =	ssyncadd.tile.s32 @!p0 $0x1;
	_ =	shalt  }
.LBB2_1:
.Ltmp3:
0x2b4: {  	(pc) =	sbr.rel .LBB2_6-.Ltmp3, $4  }
0x2b5: {  	s21 =	simm.s32 $0x380;
	s20 =	simm.s32 $0x700;
	s19 =	simm.s32 $0x300  }
0x2b6: {  	s18 =	simm.s32 $0x680;
	s17 =	simm.s32 $0x280;
	s15 =	simm.s32 $0x600  }
0x2b7: {  	s14 =	simm.s32 $0x200;
	s13 =	simm.s32 $0x580;
	s12 =	simm.s32 $0x180  }
0x2b8: {  	s11 =	simm.s32 $0x500;
	s10 =	simm.s32 $0x100;
	s9 =	simm.s32 $0x480  }
.LBB2_3:
.Ltmp4:
0x2b9: {  	s21 =	simm.s32 $0x380;
	(pc) =	sbr.rel .LBB2_6-.Ltmp4, $4  }
0x2ba: {  	s20 =	simm.s32 $0x700;
	s19 =	simm.s32 $0x300;
	s18 =	simm.s32 $0x680  }
0x2bb: {  	s17 =	simm.s32 $0x280;
	s15 =	simm.s32 $0x600;
	s14 =	simm.s32 $0x200  }
0x2bc: {  	s13 =	simm.s32 $0x580;
	s12 =	simm.s32 $0x180;
	s11 =	simm.s32 $0x500  }
0x2bd: {  	s10 =	simm.s32 $0x100;
	s9 =	simm.s32 $0x480;
	s8 =	rddreg [dreg:$0x2]  }
.Lfunc_end2:
_tile_overlayer_lowered:
.L_overlay_start_2:
0x2be: {  	(tag) =	ssettag $0x2  }
0x2bf: {  	s0 =	rddreg [dreg:$0x0];
	s2 =	stileid.u32  }
0x2c0: {  	s1 =	rddreg [dreg:$0x1];
	p0 =	sne.s32 s2, $0x0  }
0x2c1: {  	s3 =	rddreg [dreg:$0x2];
	[bflag:$0x3] =	sbarrier.arrive $0xFFFF;
	s2 =	simm.s32 @!p0 $0x1C04  }
0x2c2: {  	[timem:s3], [sflag:s2] =	dma.local @!p0 [hbm:s0], s1  }
0x2c3: {  	s0 =	simm.s32 @!p0 $0x4  }
0x2c4: {  	_ =	swait.ge @!p0 [sflag:s0], s1  }
0x2c5: {  	s1 =	ssub.s32 @!p0 $0x0, s1;
	[sflag:s0] =	ssyncset.done @!p0 $0x0  }
0x2c6: {  	[sflag:s0] =	ssyncadd.s32 @!p0 s1  }
0x2c7: {  	[bflag:$0x3] =	sbarrier.arrive $0xFFFF  }
0x2c8: {  	_ =	shalt  }

</sc_bundles>
